<compile_context>
chip_gen: v7x
topology: tpu7x:2x2x1
jax: 0.10.2.dev20260603
libtpu: 0.0.44.dev20260713+nightly
codegen_flags: <defaults>
</compile_context>

<pallas_src>
import functools

import jax
import jax.numpy as jnp
from jax import lax
from jax.experimental import pallas as pl
from jax.experimental.pallas import tpu as pltpu
from jax.experimental.pallas import tpu_sc as plsc

H = 8
_NC, _NS = 2, 16
_NW = _NC * _NS


def _sc_mesh():
    return plsc.VectorSubcoreMesh(core_axis_name="c", subcore_axis_name="s",
                                  num_cores=_NC, num_subcores=_NS)


def _split_edges(ei, bs=None):
    e = ei.shape[1]
    bs = e

    def body(ei_ref, s_ref, d_ref):
        s_ref[...] = ei_ref[0, :]
        d_ref[...] = ei_ref[1, :]

    return pl.pallas_call(
        body,
        grid=(e // bs,),
        in_specs=[pl.BlockSpec((2, bs), lambda i: (0, i))],
        out_specs=[pl.BlockSpec((bs,), lambda i: (i,)),
                   pl.BlockSpec((bs,), lambda i: (i,))],
        out_shape=[jax.ShapeDtypeStruct((e,), jnp.int32),
                   jax.ShapeDtypeStruct((e,), jnp.int32)],
    )(ei)


def _sc_gather2(tq, tkv, src, dst, chunk=80):
    n, wq = tq.shape
    wkv = tkv.shape[1]
    e = src.shape[0]
    per_w = e // _NW
    nch = per_w // chunk

    @functools.partial(
        pl.kernel,
        out_type=[jax.ShapeDtypeStruct((e, wq), jnp.float32),
                  jax.ShapeDtypeStruct((e, wkv), jnp.float32)],
        mesh=_sc_mesh(),
        scratch_types=[
            pltpu.VMEM((per_w,), jnp.int32),
            pltpu.VMEM((per_w,), jnp.int32),
            pltpu.VMEM((3 * chunk, wq), jnp.float32),
            pltpu.VMEM((3 * chunk, wkv), jnp.float32),
            pltpu.SemaphoreType.DMA,
            pltpu.SemaphoreType.DMA,
        ],
    )
    def k(tq_hbm, tkv_hbm, iq_hbm, ikv_hbm, gq_hbm, gkv_hbm,
          idxq, idxkv, qrows, kvrows, gsem, wsem):
        wid = lax.axis_index("s") * _NC + lax.axis_index("c")
        base = wid * per_w
        pltpu.sync_copy(iq_hbm.at[pl.ds(base, per_w)], idxq)
        pltpu.sync_copy(ikv_hbm.at[pl.ds(base, per_w)], idxkv)

        def gathers(ci, buf):
            yield (tq_hbm.at[idxq.at[pl.ds(ci * chunk, chunk)]],
                   qrows.at[pl.ds(buf * chunk, chunk)])
            yield (tkv_hbm.at[idxkv.at[pl.ds(ci * chunk, chunk)]],
                   kvrows.at[pl.ds(buf * chunk, chunk)])

        def writes(ci, buf):
            yield (qrows.at[pl.ds(buf * chunk, chunk)],
                   gq_hbm.at[pl.ds(base + ci * chunk, chunk)])
            yield (kvrows.at[pl.ds(buf * chunk, chunk)],
                   gkv_hbm.at[pl.ds(base + ci * chunk, chunk)])

        def fire(ci, buf):
            for s, t in gathers(ci, buf):
                pltpu.async_copy(s, t, gsem)

        def drain_gather(ci, buf):
            for s, t in gathers(ci, buf):
                pltpu.make_async_copy(s, t, gsem).wait()

        def fire_write(ci, buf):
            for s, t in writes(ci, buf):
                pltpu.async_copy(s, t, wsem)

        def drain_write(ci, buf):
            for s, t in writes(ci, buf):
                pltpu.make_async_copy(s, t, wsem).wait()

        for j in range(min(2, nch)):
            fire(j, j)

        def body(ci, _):
            buf = lax.rem(ci, 3)
            pre = ci + 2
            pbuf = lax.rem(pre, 3)

            @pl.when(pre < nch)
            def _():
                @pl.when(ci >= 1)
                def _():
                    drain_write(ci - 1, lax.rem(ci - 1, 3))
                fire(pre, pbuf)

            drain_gather(ci, buf)
            fire_write(ci, buf)
            return 0

        lax.fori_loop(0, nch, body, 0)
        for j in range(max(0, nch - 3), nch):
            drain_write(j, j % 3)

    return k(tq, tkv, dst, src)


def _sc_scatter_add(wex, dst, zeros, n, chunk=80, tc_tiling=True):
    e, w = wex.shape
    per_w = e // _NW
    nch = per_w // chunk
    nrow = (n // _NS) & ~7
    nlast = n - (_NS - 1) * nrow

    @functools.partial(
        pl.kernel,
        out_type=jax.ShapeDtypeStruct((_NC, n, w), jnp.float32),
        mesh=_sc_mesh(),
        compiler_params=None if tc_tiling else pltpu.CompilerParams(
            use_tc_tiling_on_sc=False),
        scratch_types=[
            pltpu.VMEM((per_w,), jnp.int32),
            pltpu.VMEM((3 * chunk, w), jnp.float32),
            pltpu.VMEM_SHARED((n, w), jnp.float32),
            pltpu.SemaphoreType.DMA,
            pltpu.SemaphoreType.DMA,
        ],
    )
    def k(wex_hbm, dst_hbm, zero_hbm, out_hbm, idxv, rows, table, lsem, ssem):
        cid = lax.axis_index("c")
        sid = lax.axis_index("s")
        wid = sid * _NC + cid
        base = wid * per_w
        @pl.when(sid < _NS - 1)
        def _():
            pltpu.sync_copy(zero_hbm.at[pl.ds(sid * nrow, nrow)],
                            table.at[pl.ds(sid * nrow, nrow)])

        @pl.when(sid == _NS - 1)
        def _():
            pltpu.sync_copy(zero_hbm.at[pl.ds((_NS - 1) * nrow, nlast)],
                            table.at[pl.ds((_NS - 1) * nrow, nlast)])

        pltpu.sync_copy(dst_hbm.at[pl.ds(base, per_w)], idxv)
        plsc.subcore_barrier()

        def fire(ci, buf):
            return pltpu.async_copy(
                wex_hbm.at[pl.ds(base + ci * chunk, chunk)],
                rows.at[pl.ds(buf * chunk, chunk)], lsem)

        def drain(ci, buf):
            pltpu.make_async_copy(
                wex_hbm.at[pl.ds(base + ci * chunk, chunk)],
                rows.at[pl.ds(buf * chunk, chunk)], lsem).wait()

        def fire_scat(ci, buf):
            return pltpu.async_copy(
                rows.at[pl.ds(buf * chunk, chunk)],
                table.at[idxv.at[pl.ds(ci * chunk, chunk)]], ssem, add=True)

        def drain_scat(ci, buf):
            pltpu.make_async_copy(
                rows.at[pl.ds(buf * chunk, chunk)],
                table.at[idxv.at[pl.ds(ci * chunk, chunk)]], ssem).wait()

        for j in range(min(2, nch)):
            fire(j, j)

        def body(ci, _):
            buf = lax.rem(ci, 3)
            pre = ci + 2

            @pl.when(pre < nch)
            def _():
                @pl.when(ci >= 1)
                def _():
                    drain_scat(ci - 1, lax.rem(ci - 1, 3))
                fire(pre, lax.rem(pre, 3))

            drain(ci, buf)
            fire_scat(ci, buf)
            return 0

        lax.fori_loop(0, nch, body, 0)
        for j in range(max(0, nch - 3), nch):
            drain_scat(j, j % 3)
        plsc.subcore_barrier()

        @pl.when(sid < _NS - 1)
        def _():
            pltpu.sync_copy(table.at[pl.ds(sid * nrow, nrow)],
                            out_hbm.at[cid, pl.ds(sid * nrow, nrow)])

        @pl.when(sid == _NS - 1)
        def _():
            pltpu.sync_copy(table.at[pl.ds((_NS - 1) * nrow, nlast)],
                            out_hbm.at[cid, pl.ds((_NS - 1) * nrow, nlast)])

    return k(wex, dst, zeros)


def _ln(x, g, b, eps=1e-5):
    mu = x.mean(axis=-1, keepdims=True)
    var = ((x - mu) ** 2).mean(axis=-1, keepdims=True)
    return (x - mu) / jnp.sqrt(var + eps) * g + b


def _node_pre_body(x_ref, wqT_ref, wkvT_ref, bq_ref, bkv_ref, g1_ref, b1_ref,
                   h_ref, qn_ref, knv_ref):
    d = x_ref.shape[1]
    x = x_ref[...]
    h = _ln(x, g1_ref[...], b1_ref[...])
    h_ref[...] = h
    qn_ref[...] = jnp.dot(h, wqT_ref[...], preferred_element_type=jnp.float32) + bq_ref[...]
    knv_ref[...] = jnp.dot(h, wkvT_ref[...], preferred_element_type=jnp.float32) + bkv_ref[...]


def _node_pre(x, wqT, wkvT, bq, bkv, g1, b1, bn):
    n, d = x.shape
    grid = (n // bn,)
    f32 = jnp.float32
    return pl.pallas_call(
        _node_pre_body,
        grid=grid,
        in_specs=[
            pl.BlockSpec((bn, d), lambda i: (i, 0)),
            pl.BlockSpec(wqT.shape, lambda i: (0, 0)),
            pl.BlockSpec(wkvT.shape, lambda i: (0, 0)),
            pl.BlockSpec((1, d), lambda i: (0, 0)),
            pl.BlockSpec((1, 2 * d), lambda i: (0, 0)),
            pl.BlockSpec((1, d), lambda i: (0, 0)),
            pl.BlockSpec((1, d), lambda i: (0, 0)),
        ],
        out_specs=[
            pl.BlockSpec((bn, d), lambda i: (i, 0)),
            pl.BlockSpec((bn, d), lambda i: (i, 0)),
            pl.BlockSpec((bn, 2 * d), lambda i: (i, 0)),
        ],
        out_shape=[
            jax.ShapeDtypeStruct((n, d), f32),
            jax.ShapeDtypeStruct((n, d), f32),
            jax.ShapeDtypeStruct((n, 2 * d), f32),
        ],
    )(x, wqT, wkvT, bq, bkv, g1, b1)


def _edge_body(gq_ref, gkv_ref, ea_ref, wkvT_ref, bkv_ref, red_ref, exp_ref,
               w_ref, ex_ref):
    d = gq_ref.shape[1]
    kv = jnp.dot(ea_ref[...], wkvT_ref[...], preferred_element_type=jnp.float32) + bkv_ref[...]
    ke = kv[:, :d]
    ve = kv[:, d:]
    gkv = gkv_ref[...]
    gkn = gkv[:, :d]
    gvn = gkv[:, d:]
    prod = gq_ref[...] * (gkn + ke)
    alpha = jnp.dot(prod, red_ref[...], preferred_element_type=jnp.float32)
    ex = jnp.exp(alpha)
    exb = jnp.dot(ex, exp_ref[...], preferred_element_type=jnp.float32)
    w_ref[...] = (gvn + ve) * exb
    ex_ref[...] = ex


def _edge_stage(gq, gkv, ea, wkvT, bkv, red, expm, be):
    e, d = ea.shape
    grid = (e // be,)
    return pl.pallas_call(
        _edge_body,
        grid=grid,
        in_specs=[
            pl.BlockSpec((be, d), lambda i: (i, 0)),
            pl.BlockSpec((be, 2 * d), lambda i: (i, 0)),
            pl.BlockSpec((be, d), lambda i: (i, 0)),
            pl.BlockSpec(wkvT.shape, lambda i: (0, 0)),
            pl.BlockSpec((1, 2 * d), lambda i: (0, 0)),
            pl.BlockSpec(red.shape, lambda i: (0, 0)),
            pl.BlockSpec(expm.shape, lambda i: (0, 0)),
        ],
        out_specs=[pl.BlockSpec((be, d), lambda i: (i, 0)),
                   pl.BlockSpec((be, H), lambda i: (i, 0))],
        out_shape=[jax.ShapeDtypeStruct((e, d), jnp.float32),
                   jax.ShapeDtypeStruct((e, H), jnp.float32)],
    )(gq, gkv, ea, wkvT, bkv, red, expm)


def _node_post_body(utbl_ref, dtbl_ref, x_ref, h_ref, expm_ref, wihT_ref,
                    whhT_ref, wselfT_ref, woutT_ref, b4_ref, g2_ref, b2_ref,
                    wm1T_ref, bm1_ref, wm2T_ref, bm2_ref, out_ref):
    d = x_ref.shape[1]
    u = jnp.sum(utbl_ref[...], axis=0)
    den = jnp.sum(dtbl_ref[...], axis=0)
    denb = jnp.dot(den, expm_ref[...], preferred_element_type=jnp.float32)
    agg = u / (denb + 1e-16)
    h = h_ref[...]
    b4 = b4_ref[...]
    gate = jax.nn.sigmoid(
        jnp.dot(agg, wihT_ref[...], preferred_element_type=jnp.float32)
        + jnp.dot(h, whhT_ref[...], preferred_element_type=jnp.float32)
        + b4[:, :d] + b4[:, d:2 * d])
    hs = jnp.dot(h, wselfT_ref[...], preferred_element_type=jnp.float32) + b4[:, 2 * d:3 * d]
    upd = agg + gate * (hs - agg)
    x1 = x_ref[...] + jnp.dot(upd, woutT_ref[...], preferred_element_type=jnp.float32) + b4[:, 3 * d:]
    h2 = _ln(x1, g2_ref[...], b2_ref[...])
    ff = jax.nn.relu(jnp.dot(h2, wm1T_ref[...], preferred_element_type=jnp.float32) + bm1_ref[...])
    ff = jnp.dot(ff, wm2T_ref[...], preferred_element_type=jnp.float32) + bm2_ref[...]
    out_ref[...] = x1 + ff


def _node_post(utbl, dtbl, x, h, expm, wihT, whhT, wselfT, woutT, b4, g2, b2,
               wm1T, bm1, wm2T, bm2, bn):
    nsc = utbl.shape[0]
    d = x.shape[1]
    n = x.shape[0]
    grid = (n // bn,)
    return pl.pallas_call(
        _node_post_body,
        grid=grid,
        in_specs=[
            pl.BlockSpec((nsc, bn, d), lambda i: (0, i, 0)),
            pl.BlockSpec((nsc, bn, H), lambda i: (0, i, 0)),
            pl.BlockSpec((bn, d), lambda i: (i, 0)),
            pl.BlockSpec((bn, d), lambda i: (i, 0)),
            pl.BlockSpec(expm.shape, lambda i: (0, 0)),
            pl.BlockSpec(wihT.shape, lambda i: (0, 0)),
            pl.BlockSpec(whhT.shape, lambda i: (0, 0)),
            pl.BlockSpec(wselfT.shape, lambda i: (0, 0)),
            pl.BlockSpec(woutT.shape, lambda i: (0, 0)),
            pl.BlockSpec((1, 4 * d), lambda i: (0, 0)),
            pl.BlockSpec((1, d), lambda i: (0, 0)),
            pl.BlockSpec((1, d), lambda i: (0, 0)),
            pl.BlockSpec(wm1T.shape, lambda i: (0, 0)),
            pl.BlockSpec((1, 4 * d), lambda i: (0, 0)),
            pl.BlockSpec(wm2T.shape, lambda i: (0, 0)),
            pl.BlockSpec((1, d), lambda i: (0, 0)),
        ],
        out_specs=pl.BlockSpec((bn, d), lambda i: (i, 0)),
        out_shape=jax.ShapeDtypeStruct((n, d), jnp.float32),
    )(utbl, dtbl, x, h, expm, wihT, whhT, wselfT, woutT, b4, g2, b2, wm1T,
      bm1, wm2T, bm2)


def kernel(x, edge_index, edge_attr, Wq, bq, Wkn, bkn, Wke, bke, Wvn, bvn,
           Wve, bve, Wself, bself, Wih, bih, Whh, bhh, Wout, bout, g1, b1,
           g2, b2, Wm1, bm1, Wm2, bm2):
    n, d = x.shape
    e = edge_index.shape[1]
    dh = d // H
    f32 = jnp.float32

    row = lambda v: v.reshape(1, -1)
    eye = jnp.eye(H, dtype=f32)
    red = jnp.repeat(eye, dh, axis=0) * (1.0 / (dh ** 0.5))
    expm = jnp.repeat(eye, dh, axis=1)

    bn = 1000 if n % 1000 == 0 else n
    be = 4000 if e % 4000 == 0 else e

    h, qn, knv = _node_pre(
        x, Wq.T, jnp.concatenate([Wkn.T, Wvn.T], axis=1), row(bq),
        row(jnp.concatenate([bkn, bvn])), row(g1), row(b1), bn)

    src, dst = _split_edges(edge_index)
    gq, gkv = _sc_gather2(qn, knv, src, dst)

    w, ex = _edge_stage(gq, gkv, edge_attr, jnp.concatenate([Wke.T, Wve.T], axis=1),
                        row(jnp.concatenate([bke, bve])), red, expm, be)

    utbl = _sc_scatter_add(w, dst, jnp.zeros((n, d), f32), n)
    dtbl = _sc_scatter_add(ex, dst, jnp.zeros((n, H), f32), n, tc_tiling=False)

    out = _node_post(
        utbl, dtbl, x, h, expm, Wih.T, Whh.T, Wself.T, Wout.T,
        row(jnp.concatenate([bih, bhh, bself, bout])), row(g2), row(b2),
        Wm1.T, row(bm1), Wm2.T, row(bm2), bn)
    return out

# --- scband reference (transcript-rebuilt; emitter-appended) ---
"""Pipeline reference for scband-global-interactor-35519379538325 (READ-ONLY COPY).

The authoritative reference and input builder live on the scoring server;
editing this copy changes nothing except your own understanding.
"""

import jax, jax.numpy as jnp
import numpy as np

N = 10000
E = 320000
D = 128
H = 8
Dh = D // H


def _ln(x, g, b, eps=1e-5):
    mu = x.mean(axis=-1, keepdims=True)
    var = ((x - mu) ** 2).mean(axis=-1, keepdims=True)
    return (x - mu) / jnp.sqrt(var + eps) * g + b


def setup_inputs(seed: int = 0):
    key = jax.random.key(seed)
    ks = jax.random.split(key, 24)

    def lin(k, out_d, in_d):
        bound = (6.0 / (in_d + out_d)) ** 0.5
        return jax.random.uniform(k, (out_d, in_d), dtype=jnp.float32, minval=-bound, maxval=bound)

    z = lambda d: jnp.zeros((d,), dtype=jnp.float32)
    o = lambda d: jnp.ones((d,), dtype=jnp.float32)
    inp = {}
    inp['x'] = jax.random.normal(ks[0], (N, D), dtype=jnp.float32)
    inp['edge_index'] = jax.random.randint(ks[1], (2, E), 0, N)
    inp['edge_attr'] = jax.random.normal(ks[2], (E, D), dtype=jnp.float32)
    wnames = ['Wq', 'Wkn', 'Wke', 'Wvn', 'Wve', 'Wself', 'Wih', 'Whh', 'Wout']
    for i, nm in enumerate(wnames):
        inp[nm] = lin(ks[3 + i], D, D)
        inp['b' + nm[1:]] = z(D)
    inp['g1'] = o(D)
    inp['b1'] = z(D)
    inp['g2'] = o(D)
    inp['b2'] = z(D)
    inp['Wm1'] = lin(ks[20], 4 * D, D)
    inp['bm1'] = z(4 * D)
    inp['Wm2'] = lin(ks[21], D, 4 * D)
    inp['bm2'] = z(D)
    return inp


def reference(x, edge_index, edge_attr, Wq, bq, Wkn, bkn, Wke, bke, Wvn, bvn, Wve, bve, Wself, bself, Wih, bih, Whh, bhh, Wout, bout, g1, b1, g2, b2, Wm1, bm1, Wm2, bm2):
    src = edge_index[0]
    dst = edge_index[1]
    h = _ln(x, g1, b1)
    x_i = h[dst]
    x_j = h[src]
    q = (x_i @ Wq.T + bq).reshape(-1, H, Dh)
    kn = (x_j @ Wkn.T + bkn).reshape(-1, H, Dh)
    ke = (edge_attr @ Wke.T + bke).reshape(-1, H, Dh)
    vn = (x_j @ Wvn.T + bvn).reshape(-1, H, Dh)
    ve = (edge_attr @ Wve.T + bve).reshape(-1, H, Dh)
    alpha = (q * (kn + ke)).sum(axis=-1) / (Dh ** 0.5)
    amax = jax.ops.segment_max(alpha, dst, num_segments=N)
    amax = jnp.where(jnp.isfinite(amax), amax, 0.0)
    ex = jnp.exp(alpha - amax[dst])
    den = jax.ops.segment_sum(ex, dst, num_segments=N)
    attn = ex / (den[dst] + 1e-16)
    msg = ((vn + ve) * attn[:, :, None]).reshape(-1, D)
    agg = jax.ops.segment_sum(msg, dst, num_segments=N)
    gate = jax.nn.sigmoid(agg @ Wih.T + bih + h @ Whh.T + bhh)
    upd = agg + gate * (h @ Wself.T + bself - agg)
    x1 = x + upd @ Wout.T + bout
    h2 = _ln(x1, g2, b2)
    ff = jax.nn.relu(h2 @ Wm1.T + bm1) @ Wm2.T + bm2
    return x1 + ff

if __name__ == "__main__":
    import jax
    _d = setup_inputs()
    print(jax.jit(kernel)(*tuple(_d.values())))

</pallas_src>

<mosaic_0001>
#map = affine_map<(d0, d1) -> (0, 0)>
#map1 = affine_map<(d0, d1) -> (0)>
#map2 = affine_map<(d0, d1) -> (0, 0, 0)>
module attributes {stable_mosaic.version = 14 : i64} {
  func.func @k(%arg0: i32, %arg1: i32, %arg2: memref<320000x128xf32, #tpu.memory_space<hbm>>, %arg3: memref<320000xi32, #tpu.memory_space<hbm>>, %arg4: memref<10000x128xf32, #tpu.memory_space<hbm>>, %arg5: memref<2x10000x128xf32, #tpu.memory_space<hbm>>, %arg6: memref<10000xi32, #tpu.memory_space<vmem>>, %arg7: memref<240x128xf32, #tpu.memory_space<vmem>>, %arg8: memref<10000x128xf32, #tpu.memory_space<vmem_shared>>, %arg9: memref<!tpu.dma_semaphore, #tpu.memory_space<semaphore_mem>>, %arg10: memref<!tpu.dma_semaphore, #tpu.memory_space<semaphore_mem>>) attributes {dimension_semantics = [#tpu.dimension_semantics<core_parallel>, #tpu.dimension_semantics<subcore_parallel>], iteration_bounds = array<i64: 2, 16>, scalar_prefetch = 0 : i64, scratch_operands = 5 : i64, tpu.core_type = #tpu.core_type<sc_vector_subcore>, window_params = [{transform_indices = #map}, {transform_indices = #map1}, {transform_indices = #map}, {transform_indices = #map2}]} {
    %mul3A = arith.constant 2 : i32
    %mul3A_0 = arith.muli %arg1, %mul3A : i32
    %add3A = arith.addi %mul3A_0, %arg0 : i32
    %mul3A_1 = arith.constant 10000 : i32
    %mul3A_2 = arith.muli %add3A, %mul3A_1 : i32
    %lt3A = arith.constant 15 : i32
    %lt3A_3 = arith.cmpi slt, %arg1, %lt3A : i32
    %convert_element_type3A = arith.extui %lt3A_3 : i1 to i32
    %cond3A = arith.constant 0 : i32
    %cond3A_4 = arith.cmpi ne, %convert_element_type3A, %cond3A : i32
    scf.if %cond3A_4 {
      %mul3A_72 = arith.constant 624 : i32
      %mul3A_73 = arith.muli %arg1, %mul3A_72 : i32
      %mul3A_74 = arith.constant 624 : i32
      %mul3A_75 = arith.muli %arg1, %mul3A_74 : i32
      "tpu.region"() ({
        %run_scoped3A = tpu.sem_alloc : memref<!tpu.dma_semaphore, #tpu.memory_space<semaphore_mem>>
        %dma_start3A_76 = arith.constant 0 : i32
        %dma_start3A_77 = tpu.memref_slice %arg8[%mul3A_75, %dma_start3A_76] : memref<10000x128xf32, #tpu.memory_space<vmem_shared>> -> memref<624x128xf32, #tpu.memory_space<vmem_shared>>
        %dma_start3A_78 = arith.constant 0 : i32
        %dma_start3A_79 = tpu.memref_slice %arg4[%mul3A_73, %dma_start3A_78] : memref<10000x128xf32, #tpu.memory_space<hbm>> -> memref<624x128xf32, #tpu.memory_space<hbm>>
        tpu.enqueue_dma source(%dma_start3A_79 : memref<624x128xf32, #tpu.memory_space<hbm>>) target(%dma_start3A_77 : memref<624x128xf32, #tpu.memory_space<vmem_shared>>) target_semaphore(%run_scoped3A : memref<!tpu.dma_semaphore, #tpu.memory_space<semaphore_mem>>)
        %dma_wait3A_80 = arith.constant 0 : i32
        %dma_wait3A_81 = tpu.memref_slice %arg8[%mul3A_75, %dma_wait3A_80] : memref<10000x128xf32, #tpu.memory_space<vmem_shared>> -> memref<624x128xf32, #tpu.memory_space<vmem_shared>>
        %dma_wait3A_82 = arith.constant 0 : i32
        %dma_wait3A_83 = tpu.memref_slice %arg4[%mul3A_73, %dma_wait3A_82] : memref<10000x128xf32, #tpu.memory_space<hbm>> -> memref<624x128xf32, #tpu.memory_space<hbm>>
        tpu.wait_dma2 semaphore(%run_scoped3A : memref<!tpu.dma_semaphore, #tpu.memory_space<semaphore_mem>>) src(%dma_wait3A_83 : memref<624x128xf32, #tpu.memory_space<hbm>>) dst(%dma_wait3A_81 : memref<624x128xf32, #tpu.memory_space<vmem_shared>>)
        tpu.yield
      }) : () -> ()
    } else {
    }
    %eq3A = arith.constant 15 : i32
    %eq3A_5 = arith.cmpi eq, %arg1, %eq3A : i32
    %convert_element_type3A_6 = arith.extui %eq3A_5 : i1 to i32
    %cond3A_7 = arith.constant 0 : i32
    %cond3A_8 = arith.cmpi ne, %convert_element_type3A_6, %cond3A_7 : i32
    scf.if %cond3A_8 {
      "tpu.region"() ({
        %run_scoped3A = tpu.sem_alloc : memref<!tpu.dma_semaphore, #tpu.memory_space<semaphore_mem>>
        %dma_start3A_72 = arith.constant 9360 : i32
        %dma_start3A_73 = arith.constant 0 : i32
        %dma_start3A_74 = tpu.memref_slice %arg8[%dma_start3A_72, %dma_start3A_73] : memref<10000x128xf32, #tpu.memory_space<vmem_shared>> -> memref<640x128xf32, #tpu.memory_space<vmem_shared>>
        %dma_start3A_75 = arith.constant 9360 : i32
        %dma_start3A_76 = arith.constant 0 : i32
        %dma_start3A_77 = tpu.memref_slice %arg4[%dma_start3A_75, %dma_start3A_76] : memref<10000x128xf32, #tpu.memory_space<hbm>> -> memref<640x128xf32, #tpu.memory_space<hbm>>
        tpu.enqueue_dma source(%dma_start3A_77 : memref<640x128xf32, #tpu.memory_space<hbm>>) target(%dma_start3A_74 : memref<640x128xf32, #tpu.memory_space<vmem_shared>>) target_semaphore(%run_scoped3A : memref<!tpu.dma_semaphore, #tpu.memory_space<semaphore_mem>>)
        %dma_wait3A_78 = arith.constant 9360 : i32
        %dma_wait3A_79 = arith.constant 0 : i32
        %dma_wait3A_80 = tpu.memref_slice %arg8[%dma_wait3A_78, %dma_wait3A_79] : memref<10000x128xf32, #tpu.memory_space<vmem_shared>> -> memref<640x128xf32, #tpu.memory_space<vmem_shared>>
        %dma_wait3A_81 = arith.constant 9360 : i32
        %dma_wait3A_82 = arith.constant 0 : i32
        %dma_wait3A_83 = tpu.memref_slice %arg4[%dma_wait3A_81, %dma_wait3A_82] : memref<10000x128xf32, #tpu.memory_space<hbm>> -> memref<640x128xf32, #tpu.memory_space<hbm>>
        tpu.wait_dma2 semaphore(%run_scoped3A : memref<!tpu.dma_semaphore, #tpu.memory_space<semaphore_mem>>) src(%dma_wait3A_83 : memref<640x128xf32, #tpu.memory_space<hbm>>) dst(%dma_wait3A_80 : memref<640x128xf32, #tpu.memory_space<vmem_shared>>)
        tpu.yield
      }) : () -> ()
    } else {
    }
    "tpu.region"() ({
      %run_scoped3A = tpu.sem_alloc : memref<!tpu.dma_semaphore, #tpu.memory_space<semaphore_mem>>
      %dma_start3A_72 = tpu.memref_slice %arg3[%mul3A_2] : memref<320000xi32, #tpu.memory_space<hbm>> -> memref<10000xi32, #tpu.memory_space<hbm>>
      %dma_start3A_73 = tpu.memref_slice %arg3[%mul3A_2] : memref<320000xi32, #tpu.memory_space<hbm>> -> memref<10000xi32, #tpu.memory_space<hbm>>
      tpu.enqueue_dma source(%dma_start3A_73 : memref<10000xi32, #tpu.memory_space<hbm>>) target(%arg6 : memref<10000xi32, #tpu.memory_space<vmem>>) target_semaphore(%run_scoped3A : memref<!tpu.dma_semaphore, #tpu.memory_space<semaphore_mem>>)
      %dma_wait3A_74 = tpu.memref_slice %arg3[%mul3A_2] : memref<320000xi32, #tpu.memory_space<hbm>> -> memref<10000xi32, #tpu.memory_space<hbm>>
      %dma_wait3A_75 = tpu.memref_slice %arg3[%mul3A_2] : memref<320000xi32, #tpu.memory_space<hbm>> -> memref<10000xi32, #tpu.memory_space<hbm>>
      tpu.wait_dma2 semaphore(%run_scoped3A : memref<!tpu.dma_semaphore, #tpu.memory_space<semaphore_mem>>) src(%dma_wait3A_75 : memref<10000xi32, #tpu.memory_space<hbm>>) dst(%arg6 : memref<10000xi32, #tpu.memory_space<vmem>>)
      tpu.yield
    }) : () -> ()
    %barrier3A = arith.constant 0 : index
    tpu.barrier barrier_id(%barrier3A)
    %add3A_9 = arith.constant 0 : i32
    %add3A_10 = arith.addi %mul3A_2, %add3A_9 : i32
    %dma_start3A = arith.constant 0 : i32
    %dma_start3A_11 = arith.constant 0 : i32
    %dma_start3A_12 = tpu.memref_slice %arg7[%dma_start3A, %dma_start3A_11] : memref<240x128xf32, #tpu.memory_space<vmem>> -> memref<80x128xf32, #tpu.memory_space<vmem>>
    %dma_start3A_13 = arith.constant 0 : i32
    %dma_start3A_14 = tpu.memref_slice %arg2[%add3A_10, %dma_start3A_13] : memref<320000x128xf32, #tpu.memory_space<hbm>> -> memref<80x128xf32, #tpu.memory_space<hbm>>
    %dma_start3A_15 = arith.constant 0 : i32
    %dma_start3A_16 = arith.constant 0 : i32
    %dma_start3A_17 = tpu.memref_slice %arg7[%dma_start3A_15, %dma_start3A_16] : memref<240x128xf32, #tpu.memory_space<vmem>> -> memref<80x128xf32, #tpu.memory_space<vmem>>
    %dma_start3A_18 = arith.constant 0 : i32
    %dma_start3A_19 = tpu.memref_slice %arg2[%add3A_10, %dma_start3A_18] : memref<320000x128xf32, #tpu.memory_space<hbm>> -> memref<80x128xf32, #tpu.memory_space<hbm>>
    tpu.enqueue_dma source(%dma_start3A_19 : memref<80x128xf32, #tpu.memory_space<hbm>>) target(%dma_start3A_17 : memref<80x128xf32, #tpu.memory_space<vmem>>) target_semaphore(%arg9 : memref<!tpu.dma_semaphore, #tpu.memory_space<semaphore_mem>>)
    %add3A_20 = arith.constant 80 : i32
    %add3A_21 = arith.addi %mul3A_2, %add3A_20 : i32
    %dma_start3A_22 = arith.constant 80 : i32
    %dma_start3A_23 = arith.constant 0 : i32
    %dma_start3A_24 = tpu.memref_slice %arg7[%dma_start3A_22, %dma_start3A_23] : memref<240x128xf32, #tpu.memory_space<vmem>> -> memref<80x128xf32, #tpu.memory_space<vmem>>
    %dma_start3A_25 = arith.constant 0 : i32
    %dma_start3A_26 = tpu.memref_slice %arg2[%add3A_21, %dma_start3A_25] : memref<320000x128xf32, #tpu.memory_space<hbm>> -> memref<80x128xf32, #tpu.memory_space<hbm>>
    %dma_start3A_27 = arith.constant 80 : i32
    %dma_start3A_28 = arith.constant 0 : i32
    %dma_start3A_29 = tpu.memref_slice %arg7[%dma_start3A_27, %dma_start3A_28] : memref<240x128xf32, #tpu.memory_space<vmem>> -> memref<80x128xf32, #tpu.memory_space<vmem>>
    %dma_start3A_30 = arith.constant 0 : i32
    %dma_start3A_31 = tpu.memref_slice %arg2[%add3A_21, %dma_start3A_30] : memref<320000x128xf32, #tpu.memory_space<hbm>> -> memref<80x128xf32, #tpu.memory_space<hbm>>
    tpu.enqueue_dma source(%dma_start3A_31 : memref<80x128xf32, #tpu.memory_space<hbm>>) target(%dma_start3A_29 : memref<80x128xf32, #tpu.memory_space<vmem>>) target_semaphore(%arg9 : memref<!tpu.dma_semaphore, #tpu.memory_space<semaphore_mem>>)
    %scan3A = arith.constant 0 : i32
    %scan3A_32 = arith.constant 0 : i32
    %scan3A_33 = arith.constant 125 : i32
    %scan3A_34 = arith.addi %scan3A_32, %scan3A_33 : i32
    %scan3A_35 = arith.constant 1 : i32
    %scan3A_36 = scf.for %scan3A_72 = %scan3A_32 to %scan3A_34 step %scan3A_35 iter_args(%scan3A_73 = %scan3A) -> (i32)  : i32 {
      %rem3A = arith.constant 3 : i32
      %rem3A_74 = arith.remsi %scan3A_72, %rem3A : i32
      %add3A_75 = arith.constant 2 : i32
      %add3A_76 = arith.addi %scan3A_72, %add3A_75 : i32
      %lt3A_77 = arith.constant 125 : i32
      %lt3A_78 = arith.cmpi slt, %add3A_76, %lt3A_77 : i32
      %convert_element_type3A_79 = arith.extui %lt3A_78 : i1 to i32
      %cond3A_80 = arith.constant 0 : i32
      %cond3A_81 = arith.cmpi ne, %convert_element_type3A_79, %cond3A_80 : i32
      scf.if %cond3A_81 {
        %ge3A = arith.constant 1 : i32
        %ge3A_106 = arith.cmpi sge, %scan3A_72, %ge3A : i32
        %convert_element_type3A_107 = arith.extui %ge3A_106 : i1 to i32
        %cond3A_108 = arith.constant 0 : i32
        %cond3A_109 = arith.cmpi ne, %convert_element_type3A_107, %cond3A_108 : i32
        scf.if %cond3A_109 {
          %sub3A = arith.constant 1 : i32
          %sub3A_125 = arith.subi %scan3A_72, %sub3A : i32
          %sub3A_126 = arith.constant 1 : i32
          %sub3A_127 = arith.subi %scan3A_72, %sub3A_126 : i32
          %rem3A_128 = arith.constant 3 : i32
          %rem3A_129 = arith.remsi %sub3A_127, %rem3A_128 : i32
          %mul3A_130 = arith.constant 80 : i32
          %mul3A_131 = arith.muli %rem3A_129, %mul3A_130 : i32
          %mul3A_132 = arith.constant 80 : i32
          %mul3A_133 = arith.muli %sub3A_125, %mul3A_132 : i32
          %dma_wait3A_134 = arith.constant 0 : i32
          %dma_wait3A_135 = tpu.memref_slice %arg7[%mul3A_131, %dma_wait3A_134] : memref<240x128xf32, #tpu.memory_space<vmem>> -> memref<80x128xf32, #tpu.memory_space<vmem>>
          %dma_wait3A_136 = tpu.memref_slice %arg6[%mul3A_133] : memref<10000xi32, #tpu.memory_space<vmem>> -> memref<80xi32, #tpu.memory_space<vmem>>
          %dma_wait3A_137 = arith.constant 0 : i32
          %dma_wait3A_138 = arith.constant 0 : i32
          %dma_wait3A_139 = tpu.memref_slice %arg8[%dma_wait3A_137, %dma_wait3A_138] : memref<10000x128xf32, #tpu.memory_space<vmem_shared>> -> memref<10000x128xf32, #tpu.memory_space<vmem_shared>>
          tpu.wait_indirect_dma semaphore(%arg10 : memref<!tpu.dma_semaphore, #tpu.memory_space<semaphore_mem>>) src(%dma_wait3A_135 : memref<80x128xf32, #tpu.memory_space<vmem>>) dst(%dma_wait3A_139 : memref<10000x128xf32, #tpu.memory_space<vmem_shared>>)
        } else {
        }
        %rem3A_110 = arith.constant 3 : i32
        %rem3A_111 = arith.remsi %add3A_76, %rem3A_110 : i32
        %mul3A_112 = arith.constant 80 : i32
        %mul3A_113 = arith.muli %add3A_76, %mul3A_112 : i32
        %add3A_114 = arith.addi %mul3A_2, %mul3A_113 : i32
        %mul3A_115 = arith.constant 80 : i32
        %mul3A_116 = arith.muli %rem3A_111, %mul3A_115 : i32
        %dma_start3A_117 = arith.constant 0 : i32
        %dma_start3A_118 = tpu.memref_slice %arg7[%mul3A_116, %dma_start3A_117] : memref<240x128xf32, #tpu.memory_space<vmem>> -> memref<80x128xf32, #tpu.memory_space<vmem>>
        %dma_start3A_119 = arith.constant 0 : i32
        %dma_start3A_120 = tpu.memref_slice %arg2[%add3A_114, %dma_start3A_119] : memref<320000x128xf32, #tpu.memory_space<hbm>> -> memref<80x128xf32, #tpu.memory_space<hbm>>
        %dma_start3A_121 = arith.constant 0 : i32
        %dma_start3A_122 = tpu.memref_slice %arg7[%mul3A_116, %dma_start3A_121] : memref<240x128xf32, #tpu.memory_space<vmem>> -> memref<80x128xf32, #tpu.memory_space<vmem>>
        %dma_start3A_123 = arith.constant 0 : i32
        %dma_start3A_124 = tpu.memref_slice %arg2[%add3A_114, %dma_start3A_123] : memref<320000x128xf32, #tpu.memory_space<hbm>> -> memref<80x128xf32, #tpu.memory_space<hbm>>
        tpu.enqueue_dma source(%dma_start3A_124 : memref<80x128xf32, #tpu.memory_space<hbm>>) target(%dma_start3A_122 : memref<80x128xf32, #tpu.memory_space<vmem>>) target_semaphore(%arg9 : memref<!tpu.dma_semaphore, #tpu.memory_space<semaphore_mem>>)
      } else {
      }
      %mul3A_82 = arith.constant 80 : i32
      %mul3A_83 = arith.muli %scan3A_72, %mul3A_82 : i32
      %add3A_84 = arith.addi %mul3A_2, %mul3A_83 : i32
      %mul3A_85 = arith.constant 80 : i32
      %mul3A_86 = arith.muli %rem3A_74, %mul3A_85 : i32
      %dma_wait3A_87 = arith.constant 0 : i32
      %dma_wait3A_88 = tpu.memref_slice %arg7[%mul3A_86, %dma_wait3A_87] : memref<240x128xf32, #tpu.memory_space<vmem>> -> memref<80x128xf32, #tpu.memory_space<vmem>>
      %dma_wait3A_89 = arith.constant 0 : i32
      %dma_wait3A_90 = tpu.memref_slice %arg2[%add3A_84, %dma_wait3A_89] : memref<320000x128xf32, #tpu.memory_space<hbm>> -> memref<80x128xf32, #tpu.memory_space<hbm>>
      %dma_wait3A_91 = arith.constant 0 : i32
      %dma_wait3A_92 = tpu.memref_slice %arg7[%mul3A_86, %dma_wait3A_91] : memref<240x128xf32, #tpu.memory_space<vmem>> -> memref<80x128xf32, #tpu.memory_space<vmem>>
      %dma_wait3A_93 = arith.constant 0 : i32
      %dma_wait3A_94 = tpu.memref_slice %arg2[%add3A_84, %dma_wait3A_93] : memref<320000x128xf32, #tpu.memory_space<hbm>> -> memref<80x128xf32, #tpu.memory_space<hbm>>
      tpu.wait_dma2 semaphore(%arg9 : memref<!tpu.dma_semaphore, #tpu.memory_space<semaphore_mem>>) src(%dma_wait3A_94 : memref<80x128xf32, #tpu.memory_space<hbm>>) dst(%dma_wait3A_92 : memref<80x128xf32, #tpu.memory_space<vmem>>)
      %mul3A_95 = arith.constant 80 : i32
      %mul3A_96 = arith.muli %rem3A_74, %mul3A_95 : i32
      %mul3A_97 = arith.constant 80 : i32
      %mul3A_98 = arith.muli %scan3A_72, %mul3A_97 : i32
      %dma_start3A_99 = arith.constant 0 : i32
      %dma_start3A_100 = tpu.memref_slice %arg7[%mul3A_96, %dma_start3A_99] : memref<240x128xf32, #tpu.memory_space<vmem>> -> memref<80x128xf32, #tpu.memory_space<vmem>>
      %dma_start3A_101 = tpu.memref_slice %arg6[%mul3A_98] : memref<10000xi32, #tpu.memory_space<vmem>> -> memref<80xi32, #tpu.memory_space<vmem>>
      %dma_start3A_102 = arith.constant 0 : i32
      %dma_start3A_103 = arith.constant 0 : i32
      %dma_start3A_104 = tpu.memref_slice %arg8[%dma_start3A_102, %dma_start3A_103] : memref<10000x128xf32, #tpu.memory_space<vmem_shared>> -> memref<10000x128xf32, #tpu.memory_space<vmem_shared>>
      tpu.enqueue_indirect_dma source(%dma_start3A_100 : memref<80x128xf32, #tpu.memory_space<vmem>>) target(%dma_start3A_104 : memref<10000x128xf32, #tpu.memory_space<vmem_shared>>) offsets(%dma_start3A_101 : memref<80xi32, #tpu.memory_space<vmem>>) semaphore(%arg10 : memref<!tpu.dma_semaphore, #tpu.memory_space<semaphore_mem>>) {add = true}
      %scan3A_105 = arith.constant 0 : i32
      scf.yield %scan3A_105 : i32
    }
    %scan3A_37 = arith.constant 125 : i32
    %dma_wait3A = arith.constant 160 : i32
    %dma_wait3A_38 = arith.constant 0 : i32
    %dma_wait3A_39 = tpu.memref_slice %arg7[%dma_wait3A, %dma_wait3A_38] : memref<240x128xf32, #tpu.memory_space<vmem>> -> memref<80x128xf32, #tpu.memory_space<vmem>>
    %dma_wait3A_40 = arith.constant 9760 : i32
    %dma_wait3A_41 = tpu.memref_slice %arg6[%dma_wait3A_40] : memref<10000xi32, #tpu.memory_space<vmem>> -> memref<80xi32, #tpu.memory_space<vmem>>
    %dma_wait3A_42 = arith.constant 0 : i32
    %dma_wait3A_43 = arith.constant 0 : i32
    %dma_wait3A_44 = tpu.memref_slice %arg8[%dma_wait3A_42, %dma_wait3A_43] : memref<10000x128xf32, #tpu.memory_space<vmem_shared>> -> memref<10000x128xf32, #tpu.memory_space<vmem_shared>>
    tpu.wait_indirect_dma semaphore(%arg10 : memref<!tpu.dma_semaphore, #tpu.memory_space<semaphore_mem>>) src(%dma_wait3A_39 : memref<80x128xf32, #tpu.memory_space<vmem>>) dst(%dma_wait3A_44 : memref<10000x128xf32, #tpu.memory_space<vmem_shared>>)
    %dma_wait3A_45 = arith.constant 0 : i32
    %dma_wait3A_46 = arith.constant 0 : i32
    %dma_wait3A_47 = tpu.memref_slice %arg7[%dma_wait3A_45, %dma_wait3A_46] : memref<240x128xf32, #tpu.memory_space<vmem>> -> memref<80x128xf32, #tpu.memory_space<vmem>>
    %dma_wait3A_48 = arith.constant 9840 : i32
    %dma_wait3A_49 = tpu.memref_slice %arg6[%dma_wait3A_48] : memref<10000xi32, #tpu.memory_space<vmem>> -> memref<80xi32, #tpu.memory_space<vmem>>
    %dma_wait3A_50 = arith.constant 0 : i32
    %dma_wait3A_51 = arith.constant 0 : i32
    %dma_wait3A_52 = tpu.memref_slice %arg8[%dma_wait3A_50, %dma_wait3A_51] : memref<10000x128xf32, #tpu.memory_space<vmem_shared>> -> memref<10000x128xf32, #tpu.memory_space<vmem_shared>>
    tpu.wait_indirect_dma semaphore(%arg10 : memref<!tpu.dma_semaphore, #tpu.memory_space<semaphore_mem>>) src(%dma_wait3A_47 : memref<80x128xf32, #tpu.memory_space<vmem>>) dst(%dma_wait3A_52 : memref<10000x128xf32, #tpu.memory_space<vmem_shared>>)
    %dma_wait3A_53 = arith.constant 80 : i32
    %dma_wait3A_54 = arith.constant 0 : i32
    %dma_wait3A_55 = tpu.memref_slice %arg7[%dma_wait3A_53, %dma_wait3A_54] : memref<240x128xf32, #tpu.memory_space<vmem>> -> memref<80x128xf32, #tpu.memory_space<vmem>>
    %dma_wait3A_56 = arith.constant 9920 : i32
    %dma_wait3A_57 = tpu.memref_slice %arg6[%dma_wait3A_56] : memref<10000xi32, #tpu.memory_space<vmem>> -> memref<80xi32, #tpu.memory_space<vmem>>
    %dma_wait3A_58 = arith.constant 0 : i32
    %dma_wait3A_59 = arith.constant 0 : i32
    %dma_wait3A_60 = tpu.memref_slice %arg8[%dma_wait3A_58, %dma_wait3A_59] : memref<10000x128xf32, #tpu.memory_space<vmem_shared>> -> memref<10000x128xf32, #tpu.memory_space<vmem_shared>>
    tpu.wait_indirect_dma semaphore(%arg10 : memref<!tpu.dma_semaphore, #tpu.memory_space<semaphore_mem>>) src(%dma_wait3A_55 : memref<80x128xf32, #tpu.memory_space<vmem>>) dst(%dma_wait3A_60 : memref<10000x128xf32, #tpu.memory_space<vmem_shared>>)
    %barrier3A_61 = arith.constant 0 : index
    tpu.barrier barrier_id(%barrier3A_61)
    %lt3A_62 = arith.constant 15 : i32
    %lt3A_63 = arith.cmpi slt, %arg1, %lt3A_62 : i32
    %convert_element_type3A_64 = arith.extui %lt3A_63 : i1 to i32
    %cond3A_65 = arith.constant 0 : i32
    %cond3A_66 = arith.cmpi ne, %convert_element_type3A_64, %cond3A_65 : i32
    scf.if %cond3A_66 {
      %mul3A_72 = arith.constant 624 : i32
      %mul3A_73 = arith.muli %arg1, %mul3A_72 : i32
      %mul3A_74 = arith.constant 624 : i32
      %mul3A_75 = arith.muli %arg1, %mul3A_74 : i32
      "tpu.region"() ({
        %run_scoped3A = tpu.sem_alloc : memref<!tpu.dma_semaphore, #tpu.memory_space<semaphore_mem>>
        %dma_start3A_76 = arith.constant 0 : i32
        %dma_start3A_77 = tpu.memref_slice %arg5[%arg0, %mul3A_75, %dma_start3A_76] : memref<2x10000x128xf32, #tpu.memory_space<hbm>> -> memref<1x624x128xf32, #tpu.memory_space<hbm>>
        %dma_start3A_78 = tpu.memref_squeeze %dma_start3A_77 : memref<1x624x128xf32, #tpu.memory_space<hbm>> -> memref<624x128xf32, #tpu.memory_space<hbm>>
        %dma_start3A_79 = arith.constant 0 : i32
        %dma_start3A_80 = tpu.memref_slice %arg8[%mul3A_73, %dma_start3A_79] : memref<10000x128xf32, #tpu.memory_space<vmem_shared>> -> memref<624x128xf32, #tpu.memory_space<vmem_shared>>
        tpu.enqueue_dma source(%dma_start3A_80 : memref<624x128xf32, #tpu.memory_space<vmem_shared>>) target(%dma_start3A_78 : memref<624x128xf32, #tpu.memory_space<hbm>>) target_semaphore(%run_scoped3A : memref<!tpu.dma_semaphore, #tpu.memory_space<semaphore_mem>>)
        %dma_wait3A_81 = arith.constant 0 : i32
        %dma_wait3A_82 = tpu.memref_slice %arg5[%arg0, %mul3A_75, %dma_wait3A_81] : memref<2x10000x128xf32, #tpu.memory_space<hbm>> -> memref<1x624x128xf32, #tpu.memory_space<hbm>>
        %dma_wait3A_83 = tpu.memref_squeeze %dma_wait3A_82 : memref<1x624x128xf32, #tpu.memory_space<hbm>> -> memref<624x128xf32, #tpu.memory_space<hbm>>
        %dma_wait3A_84 = arith.constant 0 : i32
        %dma_wait3A_85 = tpu.memref_slice %arg8[%mul3A_73, %dma_wait3A_84] : memref<10000x128xf32, #tpu.memory_space<vmem_shared>> -> memref<624x128xf32, #tpu.memory_space<vmem_shared>>
        tpu.wait_dma2 semaphore(%run_scoped3A : memref<!tpu.dma_semaphore, #tpu.memory_space<semaphore_mem>>) src(%dma_wait3A_85 : memref<624x128xf32, #tpu.memory_space<vmem_shared>>) dst(%dma_wait3A_83 : memref<624x128xf32, #tpu.memory_space<hbm>>)
        tpu.yield
      }) : () -> ()
    } else {
    }
    %eq3A_67 = arith.constant 15 : i32
    %eq3A_68 = arith.cmpi eq, %arg1, %eq3A_67 : i32
    %convert_element_type3A_69 = arith.extui %eq3A_68 : i1 to i32
    %cond3A_70 = arith.constant 0 : i32
    %cond3A_71 = arith.cmpi ne, %convert_element_type3A_69, %cond3A_70 : i32
    scf.if %cond3A_71 {
      "tpu.region"() ({
        %run_scoped3A = tpu.sem_alloc : memref<!tpu.dma_semaphore, #tpu.memory_space<semaphore_mem>>
        %dma_start3A_72 = arith.constant 9360 : i32
        %dma_start3A_73 = arith.constant 0 : i32
        %dma_start3A_74 = tpu.memref_slice %arg5[%arg0, %dma_start3A_72, %dma_start3A_73] : memref<2x10000x128xf32, #tpu.memory_space<hbm>> -> memref<1x640x128xf32, #tpu.memory_space<hbm>>
        %dma_start3A_75 = tpu.memref_squeeze %dma_start3A_74 : memref<1x640x128xf32, #tpu.memory_space<hbm>> -> memref<640x128xf32, #tpu.memory_space<hbm>>
        %dma_start3A_76 = arith.constant 9360 : i32
        %dma_start3A_77 = arith.constant 0 : i32
        %dma_start3A_78 = tpu.memref_slice %arg8[%dma_start3A_76, %dma_start3A_77] : memref<10000x128xf32, #tpu.memory_space<vmem_shared>> -> memref<640x128xf32, #tpu.memory_space<vmem_shared>>
        tpu.enqueue_dma source(%dma_start3A_78 : memref<640x128xf32, #tpu.memory_space<vmem_shared>>) target(%dma_start3A_75 : memref<640x128xf32, #tpu.memory_space<hbm>>) target_semaphore(%run_scoped3A : memref<!tpu.dma_semaphore, #tpu.memory_space<semaphore_mem>>)
        %dma_wait3A_79 = arith.constant 9360 : i32
        %dma_wait3A_80 = arith.constant 0 : i32
        %dma_wait3A_81 = tpu.memref_slice %arg5[%arg0, %dma_wait3A_79, %dma_wait3A_80] : memref<2x10000x128xf32, #tpu.memory_space<hbm>> -> memref<1x640x128xf32, #tpu.memory_space<hbm>>
        %dma_wait3A_82 = tpu.memref_squeeze %dma_wait3A_81 : memref<1x640x128xf32, #tpu.memory_space<hbm>> -> memref<640x128xf32, #tpu.memory_space<hbm>>
        %dma_wait3A_83 = arith.constant 9360 : i32
        %dma_wait3A_84 = arith.constant 0 : i32
        %dma_wait3A_85 = tpu.memref_slice %arg8[%dma_wait3A_83, %dma_wait3A_84] : memref<10000x128xf32, #tpu.memory_space<vmem_shared>> -> memref<640x128xf32, #tpu.memory_space<vmem_shared>>
        tpu.wait_dma2 semaphore(%run_scoped3A : memref<!tpu.dma_semaphore, #tpu.memory_space<semaphore_mem>>) src(%dma_wait3A_85 : memref<640x128xf32, #tpu.memory_space<vmem_shared>>) dst(%dma_wait3A_82 : memref<640x128xf32, #tpu.memory_space<hbm>>)
        tpu.yield
      }) : () -> ()
    } else {
    }
    return
  }
}

#map = affine_map<(d0, d1) -> (0, 0)>
#map1 = affine_map<(d0, d1) -> (0)>
#map2 = affine_map<(d0, d1) -> (0, 0, 0)>
module attributes {stable_mosaic.version = 14 : i64} {
  func.func @k(%arg0: i32, %arg1: i32, %arg2: memref<320000x8xf32, #tpu.memory_space<hbm>>, %arg3: memref<320000xi32, #tpu.memory_space<hbm>>, %arg4: memref<10000x8xf32, #tpu.memory_space<hbm>>, %arg5: memref<2x10000x8xf32, #tpu.memory_space<hbm>>, %arg6: memref<10000xi32, #tpu.memory_space<vmem>>, %arg7: memref<240x8xf32, #tpu.memory_space<vmem>>, %arg8: memref<10000x8xf32, #tpu.memory_space<vmem_shared>>, %arg9: memref<!tpu.dma_semaphore, #tpu.memory_space<semaphore_mem>>, %arg10: memref<!tpu.dma_semaphore, #tpu.memory_space<semaphore_mem>>) attributes {dimension_semantics = [#tpu.dimension_semantics<core_parallel>, #tpu.dimension_semantics<subcore_parallel>], iteration_bounds = array<i64: 2, 16>, scalar_prefetch = 0 : i64, scratch_operands = 5 : i64, tpu.core_type = #tpu.core_type<sc_vector_subcore>, window_params = [{transform_indices = #map}, {transform_indices = #map1}, {transform_indices = #map}, {transform_indices = #map2}]} {
    %mul3A = arith.constant 2 : i32
    %mul3A_0 = arith.muli %arg1, %mul3A : i32
    %add3A = arith.addi %mul3A_0, %arg0 : i32
    %mul3A_1 = arith.constant 10000 : i32
    %mul3A_2 = arith.muli %add3A, %mul3A_1 : i32
    %lt3A = arith.constant 15 : i32
    %lt3A_3 = arith.cmpi slt, %arg1, %lt3A : i32
    %convert_element_type3A = arith.extui %lt3A_3 : i1 to i32
    %cond3A = arith.constant 0 : i32
    %cond3A_4 = arith.cmpi ne, %convert_element_type3A, %cond3A : i32
    scf.if %cond3A_4 {
      %mul3A_72 = arith.constant 624 : i32
      %mul3A_73 = arith.muli %arg1, %mul3A_72 : i32
      %mul3A_74 = arith.constant 624 : i32
      %mul3A_75 = arith.muli %arg1, %mul3A_74 : i32
      "tpu.region"() ({
        %run_scoped3A = tpu.sem_alloc : memref<!tpu.dma_semaphore, #tpu.memory_space<semaphore_mem>>
        %dma_start3A_76 = arith.constant 0 : i32
        %dma_start3A_77 = tpu.memref_slice %arg8[%mul3A_75, %dma_start3A_76] : memref<10000x8xf32, #tpu.memory_space<vmem_shared>> -> memref<624x8xf32, #tpu.memory_space<vmem_shared>>
        %dma_start3A_78 = arith.constant 0 : i32
        %dma_start3A_79 = tpu.memref_slice %arg4[%mul3A_73, %dma_start3A_78] : memref<10000x8xf32, #tpu.memory_space<hbm>> -> memref<624x8xf32, #tpu.memory_space<hbm>>
        tpu.enqueue_dma source(%dma_start3A_79 : memref<624x8xf32, #tpu.memory_space<hbm>>) target(%dma_start3A_77 : memref<624x8xf32, #tpu.memory_space<vmem_shared>>) target_semaphore(%run_scoped3A : memref<!tpu.dma_semaphore, #tpu.memory_space<semaphore_mem>>)
        %dma_wait3A_80 = arith.constant 0 : i32
        %dma_wait3A_81 = tpu.memref_slice %arg8[%mul3A_75, %dma_wait3A_80] : memref<10000x8xf32, #tpu.memory_space<vmem_shared>> -> memref<624x8xf32, #tpu.memory_space<vmem_shared>>
        %dma_wait3A_82 = arith.constant 0 : i32
        %dma_wait3A_83 = tpu.memref_slice %arg4[%mul3A_73, %dma_wait3A_82] : memref<10000x8xf32, #tpu.memory_space<hbm>> -> memref<624x8xf32, #tpu.memory_space<hbm>>
        tpu.wait_dma2 semaphore(%run_scoped3A : memref<!tpu.dma_semaphore, #tpu.memory_space<semaphore_mem>>) src(%dma_wait3A_83 : memref<624x8xf32, #tpu.memory_space<hbm>>) dst(%dma_wait3A_81 : memref<624x8xf32, #tpu.memory_space<vmem_shared>>)
        tpu.yield
      }) : () -> ()
    } else {
    }
    %eq3A = arith.constant 15 : i32
    %eq3A_5 = arith.cmpi eq, %arg1, %eq3A : i32
    %convert_element_type3A_6 = arith.extui %eq3A_5 : i1 to i32
    %cond3A_7 = arith.constant 0 : i32
    %cond3A_8 = arith.cmpi ne, %convert_element_type3A_6, %cond3A_7 : i32
    scf.if %cond3A_8 {
      "tpu.region"() ({
        %run_scoped3A = tpu.sem_alloc : memref<!tpu.dma_semaphore, #tpu.memory_space<semaphore_mem>>
        %dma_start3A_72 = arith.constant 9360 : i32
        %dma_start3A_73 = arith.constant 0 : i32
        %dma_start3A_74 = tpu.memref_slice %arg8[%dma_start3A_72, %dma_start3A_73] : memref<10000x8xf32, #tpu.memory_space<vmem_shared>> -> memref<640x8xf32, #tpu.memory_space<vmem_shared>>
        %dma_start3A_75 = arith.constant 9360 : i32
        %dma_start3A_76 = arith.constant 0 : i32
        %dma_start3A_77 = tpu.memref_slice %arg4[%dma_start3A_75, %dma_start3A_76] : memref<10000x8xf32, #tpu.memory_space<hbm>> -> memref<640x8xf32, #tpu.memory_space<hbm>>
        tpu.enqueue_dma source(%dma_start3A_77 : memref<640x8xf32, #tpu.memory_space<hbm>>) target(%dma_start3A_74 : memref<640x8xf32, #tpu.memory_space<vmem_shared>>) target_semaphore(%run_scoped3A : memref<!tpu.dma_semaphore, #tpu.memory_space<semaphore_mem>>)
        %dma_wait3A_78 = arith.constant 9360 : i32
        %dma_wait3A_79 = arith.constant 0 : i32
        %dma_wait3A_80 = tpu.memref_slice %arg8[%dma_wait3A_78, %dma_wait3A_79] : memref<10000x8xf32, #tpu.memory_space<vmem_shared>> -> memref<640x8xf32, #tpu.memory_space<vmem_shared>>
        %dma_wait3A_81 = arith.constant 9360 : i32
        %dma_wait3A_82 = arith.constant 0 : i32
        %dma_wait3A_83 = tpu.memref_slice %arg4[%dma_wait3A_81, %dma_wait3A_82] : memref<10000x8xf32, #tpu.memory_space<hbm>> -> memref<640x8xf32, #tpu.memory_space<hbm>>
        tpu.wait_dma2 semaphore(%run_scoped3A : memref<!tpu.dma_semaphore, #tpu.memory_space<semaphore_mem>>) src(%dma_wait3A_83 : memref<640x8xf32, #tpu.memory_space<hbm>>) dst(%dma_wait3A_80 : memref<640x8xf32, #tpu.memory_space<vmem_shared>>)
        tpu.yield
      }) : () -> ()
    } else {
    }
    "tpu.region"() ({
      %run_scoped3A = tpu.sem_alloc : memref<!tpu.dma_semaphore, #tpu.memory_space<semaphore_mem>>
      %dma_start3A_72 = tpu.memref_slice %arg3[%mul3A_2] : memref<320000xi32, #tpu.memory_space<hbm>> -> memref<10000xi32, #tpu.memory_space<hbm>>
      %dma_start3A_73 = tpu.memref_slice %arg3[%mul3A_2] : memref<320000xi32, #tpu.memory_space<hbm>> -> memref<10000xi32, #tpu.memory_space<hbm>>
      tpu.enqueue_dma source(%dma_start3A_73 : memref<10000xi32, #tpu.memory_space<hbm>>) target(%arg6 : memref<10000xi32, #tpu.memory_space<vmem>>) target_semaphore(%run_scoped3A : memref<!tpu.dma_semaphore, #tpu.memory_space<semaphore_mem>>)
      %dma_wait3A_74 = tpu.memref_slice %arg3[%mul3A_2] : memref<320000xi32, #tpu.memory_space<hbm>> -> memref<10000xi32, #tpu.memory_space<hbm>>
      %dma_wait3A_75 = tpu.memref_slice %arg3[%mul3A_2] : memref<320000xi32, #tpu.memory_space<hbm>> -> memref<10000xi32, #tpu.memory_space<hbm>>
      tpu.wait_dma2 semaphore(%run_scoped3A : memref<!tpu.dma_semaphore, #tpu.memory_space<semaphore_mem>>) src(%dma_wait3A_75 : memref<10000xi32, #tpu.memory_space<hbm>>) dst(%arg6 : memref<10000xi32, #tpu.memory_space<vmem>>)
      tpu.yield
    }) : () -> ()
    %barrier3A = arith.constant 0 : index
    tpu.barrier barrier_id(%barrier3A)
    %add3A_9 = arith.constant 0 : i32
    %add3A_10 = arith.addi %mul3A_2, %add3A_9 : i32
    %dma_start3A = arith.constant 0 : i32
    %dma_start3A_11 = arith.constant 0 : i32
    %dma_start3A_12 = tpu.memref_slice %arg7[%dma_start3A, %dma_start3A_11] : memref<240x8xf32, #tpu.memory_space<vmem>> -> memref<80x8xf32, #tpu.memory_space<vmem>>
    %dma_start3A_13 = arith.constant 0 : i32
    %dma_start3A_14 = tpu.memref_slice %arg2[%add3A_10, %dma_start3A_13] : memref<320000x8xf32, #tpu.memory_space<hbm>> -> memref<80x8xf32, #tpu.memory_space<hbm>>
    %dma_start3A_15 = arith.constant 0 : i32
    %dma_start3A_16 = arith.constant 0 : i32
    %dma_start3A_17 = tpu.memref_slice %arg7[%dma_start3A_15, %dma_start3A_16] : memref<240x8xf32, #tpu.memory_space<vmem>> -> memref<80x8xf32, #tpu.memory_space<vmem>>
    %dma_start3A_18 = arith.constant 0 : i32
    %dma_start3A_19 = tpu.memref_slice %arg2[%add3A_10, %dma_start3A_18] : memref<320000x8xf32, #tpu.memory_space<hbm>> -> memref<80x8xf32, #tpu.memory_space<hbm>>
    tpu.enqueue_dma source(%dma_start3A_19 : memref<80x8xf32, #tpu.memory_space<hbm>>) target(%dma_start3A_17 : memref<80x8xf32, #tpu.memory_space<vmem>>) target_semaphore(%arg9 : memref<!tpu.dma_semaphore, #tpu.memory_space<semaphore_mem>>)
    %add3A_20 = arith.constant 80 : i32
    %add3A_21 = arith.addi %mul3A_2, %add3A_20 : i32
    %dma_start3A_22 = arith.constant 80 : i32
    %dma_start3A_23 = arith.constant 0 : i32
    %dma_start3A_24 = tpu.memref_slice %arg7[%dma_start3A_22, %dma_start3A_23] : memref<240x8xf32, #tpu.memory_space<vmem>> -> memref<80x8xf32, #tpu.memory_space<vmem>>
    %dma_start3A_25 = arith.constant 0 : i32
    %dma_start3A_26 = tpu.memref_slice %arg2[%add3A_21, %dma_start3A_25] : memref<320000x8xf32, #tpu.memory_space<hbm>> -> memref<80x8xf32, #tpu.memory_space<hbm>>
    %dma_start3A_27 = arith.constant 80 : i32
    %dma_start3A_28 = arith.constant 0 : i32
    %dma_start3A_29 = tpu.memref_slice %arg7[%dma_start3A_27, %dma_start3A_28] : memref<240x8xf32, #tpu.memory_space<vmem>> -> memref<80x8xf32, #tpu.memory_space<vmem>>
    %dma_start3A_30 = arith.constant 0 : i32
    %dma_start3A_31 = tpu.memref_slice %arg2[%add3A_21, %dma_start3A_30] : memref<320000x8xf32, #tpu.memory_space<hbm>> -> memref<80x8xf32, #tpu.memory_space<hbm>>
    tpu.enqueue_dma source(%dma_start3A_31 : memref<80x8xf32, #tpu.memory_space<hbm>>) target(%dma_start3A_29 : memref<80x8xf32, #tpu.memory_space<vmem>>) target_semaphore(%arg9 : memref<!tpu.dma_semaphore, #tpu.memory_space<semaphore_mem>>)
    %scan3A = arith.constant 0 : i32
    %scan3A_32 = arith.constant 0 : i32
    %scan3A_33 = arith.constant 125 : i32
    %scan3A_34 = arith.addi %scan3A_32, %scan3A_33 : i32
    %scan3A_35 = arith.constant 1 : i32
    %scan3A_36 = scf.for %scan3A_72 = %scan3A_32 to %scan3A_34 step %scan3A_35 iter_args(%scan3A_73 = %scan3A) -> (i32)  : i32 {
      %rem3A = arith.constant 3 : i32
      %rem3A_74 = arith.remsi %scan3A_72, %rem3A : i32
      %add3A_75 = arith.constant 2 : i32
      %add3A_76 = arith.addi %scan3A_72, %add3A_75 : i32
      %lt3A_77 = arith.constant 125 : i32
      %lt3A_78 = arith.cmpi slt, %add3A_76, %lt3A_77 : i32
      %convert_element_type3A_79 = arith.extui %lt3A_78 : i1 to i32
      %cond3A_80 = arith.constant 0 : i32
      %cond3A_81 = arith.cmpi ne, %convert_element_type3A_79, %cond3A_80 : i32
      scf.if %cond3A_81 {
        %ge3A = arith.constant 1 : i32
        %ge3A_106 = arith.cmpi sge, %scan3A_72, %ge3A : i32
        %convert_element_type3A_107 = arith.extui %ge3A_106 : i1 to i32
        %cond3A_108 = arith.constant 0 : i32
        %cond3A_109 = arith.cmpi ne, %convert_element_type3A_107, %cond3A_108 : i32
        scf.if %cond3A_109 {
          %sub3A = arith.constant 1 : i32
          %sub3A_125 = arith.subi %scan3A_72, %sub3A : i32
          %sub3A_126 = arith.constant 1 : i32
          %sub3A_127 = arith.subi %scan3A_72, %sub3A_126 : i32
          %rem3A_128 = arith.constant 3 : i32
          %rem3A_129 = arith.remsi %sub3A_127, %rem3A_128 : i32
          %mul3A_130 = arith.constant 80 : i32
          %mul3A_131 = arith.muli %rem3A_129, %mul3A_130 : i32
          %mul3A_132 = arith.constant 80 : i32
          %mul3A_133 = arith.muli %sub3A_125, %mul3A_132 : i32
          %dma_wait3A_134 = arith.constant 0 : i32
          %dma_wait3A_135 = tpu.memref_slice %arg7[%mul3A_131, %dma_wait3A_134] : memref<240x8xf32, #tpu.memory_space<vmem>> -> memref<80x8xf32, #tpu.memory_space<vmem>>
          %dma_wait3A_136 = tpu.memref_slice %arg6[%mul3A_133] : memref<10000xi32, #tpu.memory_space<vmem>> -> memref<80xi32, #tpu.memory_space<vmem>>
          %dma_wait3A_137 = arith.constant 0 : i32
          %dma_wait3A_138 = arith.constant 0 : i32
          %dma_wait3A_139 = tpu.memref_slice %arg8[%dma_wait3A_137, %dma_wait3A_138] : memref<10000x8xf32, #tpu.memory_space<vmem_shared>> -> memref<10000x8xf32, #tpu.memory_space<vmem_shared>>
          tpu.wait_indirect_dma semaphore(%arg10 : memref<!tpu.dma_semaphore, #tpu.memory_space<semaphore_mem>>) src(%dma_wait3A_135 : memref<80x8xf32, #tpu.memory_space<vmem>>) dst(%dma_wait3A_139 : memref<10000x8xf32, #tpu.memory_space<vmem_shared>>)
        } else {
        }
        %rem3A_110 = arith.constant 3 : i32
        %rem3A_111 = arith.remsi %add3A_76, %rem3A_110 : i32
        %mul3A_112 = arith.constant 80 : i32
        %mul3A_113 = arith.muli %add3A_76, %mul3A_112 : i32
        %add3A_114 = arith.addi %mul3A_2, %mul3A_113 : i32
        %mul3A_115 = arith.constant 80 : i32
        %mul3A_116 = arith.muli %rem3A_111, %mul3A_115 : i32
        %dma_start3A_117 = arith.constant 0 : i32
        %dma_start3A_118 = tpu.memref_slice %arg7[%mul3A_116, %dma_start3A_117] : memref<240x8xf32, #tpu.memory_space<vmem>> -> memref<80x8xf32, #tpu.memory_space<vmem>>
        %dma_start3A_119 = arith.constant 0 : i32
        %dma_start3A_120 = tpu.memref_slice %arg2[%add3A_114, %dma_start3A_119] : memref<320000x8xf32, #tpu.memory_space<hbm>> -> memref<80x8xf32, #tpu.memory_space<hbm>>
        %dma_start3A_121 = arith.constant 0 : i32
        %dma_start3A_122 = tpu.memref_slice %arg7[%mul3A_116, %dma_start3A_121] : memref<240x8xf32, #tpu.memory_space<vmem>> -> memref<80x8xf32, #tpu.memory_space<vmem>>
        %dma_start3A_123 = arith.constant 0 : i32
        %dma_start3A_124 = tpu.memref_slice %arg2[%add3A_114, %dma_start3A_123] : memref<320000x8xf32, #tpu.memory_space<hbm>> -> memref<80x8xf32, #tpu.memory_space<hbm>>
        tpu.enqueue_dma source(%dma_start3A_124 : memref<80x8xf32, #tpu.memory_space<hbm>>) target(%dma_start3A_122 : memref<80x8xf32, #tpu.memory_space<vmem>>) target_semaphore(%arg9 : memref<!tpu.dma_semaphore, #tpu.memory_space<semaphore_mem>>)
      } else {
      }
      %mul3A_82 = arith.constant 80 : i32
      %mul3A_83 = arith.muli %scan3A_72, %mul3A_82 : i32
      %add3A_84 = arith.addi %mul3A_2, %mul3A_83 : i32
      %mul3A_85 = arith.constant 80 : i32
      %mul3A_86 = arith.muli %rem3A_74, %mul3A_85 : i32
      %dma_wait3A_87 = arith.constant 0 : i32
      %dma_wait3A_88 = tpu.memref_slice %arg7[%mul3A_86, %dma_wait3A_87] : memref<240x8xf32, #tpu.memory_space<vmem>> -> memref<80x8xf32, #tpu.memory_space<vmem>>
      %dma_wait3A_89 = arith.constant 0 : i32
      %dma_wait3A_90 = tpu.memref_slice %arg2[%add3A_84, %dma_wait3A_89] : memref<320000x8xf32, #tpu.memory_space<hbm>> -> memref<80x8xf32, #tpu.memory_space<hbm>>
      %dma_wait3A_91 = arith.constant 0 : i32
      %dma_wait3A_92 = tpu.memref_slice %arg7[%mul3A_86, %dma_wait3A_91] : memref<240x8xf32, #tpu.memory_space<vmem>> -> memref<80x8xf32, #tpu.memory_space<vmem>>
      %dma_wait3A_93 = arith.constant 0 : i32
      %dma_wait3A_94 = tpu.memref_slice %arg2[%add3A_84, %dma_wait3A_93] : memref<320000x8xf32, #tpu.memory_space<hbm>> -> memref<80x8xf32, #tpu.memory_space<hbm>>
      tpu.wait_dma2 semaphore(%arg9 : memref<!tpu.dma_semaphore, #tpu.memory_space<semaphore_mem>>) src(%dma_wait3A_94 : memref<80x8xf32, #tpu.memory_space<hbm>>) dst(%dma_wait3A_92 : memref<80x8xf32, #tpu.memory_space<vmem>>)
      %mul3A_95 = arith.constant 80 : i32
      %mul3A_96 = arith.muli %rem3A_74, %mul3A_95 : i32
      %mul3A_97 = arith.constant 80 : i32
      %mul3A_98 = arith.muli %scan3A_72, %mul3A_97 : i32
      %dma_start3A_99 = arith.constant 0 : i32
      %dma_start3A_100 = tpu.memref_slice %arg7[%mul3A_96, %dma_start3A_99] : memref<240x8xf32, #tpu.memory_space<vmem>> -> memref<80x8xf32, #tpu.memory_space<vmem>>
      %dma_start3A_101 = tpu.memref_slice %arg6[%mul3A_98] : memref<10000xi32, #tpu.memory_space<vmem>> -> memref<80xi32, #tpu.memory_space<vmem>>
      %dma_start3A_102 = arith.constant 0 : i32
      %dma_start3A_103 = arith.constant 0 : i32
      %dma_start3A_104 = tpu.memref_slice %arg8[%dma_start3A_102, %dma_start3A_103] : memref<10000x8xf32, #tpu.memory_space<vmem_shared>> -> memref<10000x8xf32, #tpu.memory_space<vmem_shared>>
      tpu.enqueue_indirect_dma source(%dma_start3A_100 : memref<80x8xf32, #tpu.memory_space<vmem>>) target(%dma_start3A_104 : memref<10000x8xf32, #tpu.memory_space<vmem_shared>>) offsets(%dma_start3A_101 : memref<80xi32, #tpu.memory_space<vmem>>) semaphore(%arg10 : memref<!tpu.dma_semaphore, #tpu.memory_space<semaphore_mem>>) {add = true}
      %scan3A_105 = arith.constant 0 : i32
      scf.yield %scan3A_105 : i32
    }
    %scan3A_37 = arith.constant 125 : i32
    %dma_wait3A = arith.constant 160 : i32
    %dma_wait3A_38 = arith.constant 0 : i32
    %dma_wait3A_39 = tpu.memref_slice %arg7[%dma_wait3A, %dma_wait3A_38] : memref<240x8xf32, #tpu.memory_space<vmem>> -> memref<80x8xf32, #tpu.memory_space<vmem>>
    %dma_wait3A_40 = arith.constant 9760 : i32
    %dma_wait3A_41 = tpu.memref_slice %arg6[%dma_wait3A_40] : memref<10000xi32, #tpu.memory_space<vmem>> -> memref<80xi32, #tpu.memory_space<vmem>>
    %dma_wait3A_42 = arith.constant 0 : i32
    %dma_wait3A_43 = arith.constant 0 : i32
    %dma_wait3A_44 = tpu.memref_slice %arg8[%dma_wait3A_42, %dma_wait3A_43] : memref<10000x8xf32, #tpu.memory_space<vmem_shared>> -> memref<10000x8xf32, #tpu.memory_space<vmem_shared>>
    tpu.wait_indirect_dma semaphore(%arg10 : memref<!tpu.dma_semaphore, #tpu.memory_space<semaphore_mem>>) src(%dma_wait3A_39 : memref<80x8xf32, #tpu.memory_space<vmem>>) dst(%dma_wait3A_44 : memref<10000x8xf32, #tpu.memory_space<vmem_shared>>)
    %dma_wait3A_45 = arith.constant 0 : i32
    %dma_wait3A_46 = arith.constant 0 : i32
    %dma_wait3A_47 = tpu.memref_slice %arg7[%dma_wait3A_45, %dma_wait3A_46] : memref<240x8xf32, #tpu.memory_space<vmem>> -> memref<80x8xf32, #tpu.memory_space<vmem>>
    %dma_wait3A_48 = arith.constant 9840 : i32
    %dma_wait3A_49 = tpu.memref_slice %arg6[%dma_wait3A_48] : memref<10000xi32, #tpu.memory_space<vmem>> -> memref<80xi32, #tpu.memory_space<vmem>>
    %dma_wait3A_50 = arith.constant 0 : i32
    %dma_wait3A_51 = arith.constant 0 : i32
    %dma_wait3A_52 = tpu.memref_slice %arg8[%dma_wait3A_50, %dma_wait3A_51] : memref<10000x8xf32, #tpu.memory_space<vmem_shared>> -> memref<10000x8xf32, #tpu.memory_space<vmem_shared>>
    tpu.wait_indirect_dma semaphore(%arg10 : memref<!tpu.dma_semaphore, #tpu.memory_space<semaphore_mem>>) src(%dma_wait3A_47 : memref<80x8xf32, #tpu.memory_space<vmem>>) dst(%dma_wait3A_52 : memref<10000x8xf32, #tpu.memory_space<vmem_shared>>)
    %dma_wait3A_53 = arith.constant 80 : i32
    %dma_wait3A_54 = arith.constant 0 : i32
    %dma_wait3A_55 = tpu.memref_slice %arg7[%dma_wait3A_53, %dma_wait3A_54] : memref<240x8xf32, #tpu.memory_space<vmem>> -> memref<80x8xf32, #tpu.memory_space<vmem>>
    %dma_wait3A_56 = arith.constant 9920 : i32
    %dma_wait3A_57 = tpu.memref_slice %arg6[%dma_wait3A_56] : memref<10000xi32, #tpu.memory_space<vmem>> -> memref<80xi32, #tpu.memory_space<vmem>>
    %dma_wait3A_58 = arith.constant 0 : i32
    %dma_wait3A_59 = arith.constant 0 : i32
    %dma_wait3A_60 = tpu.memref_slice %arg8[%dma_wait3A_58, %dma_wait3A_59] : memref<10000x8xf32, #tpu.memory_space<vmem_shared>> -> memref<10000x8xf32, #tpu.memory_space<vmem_shared>>
    tpu.wait_indirect_dma semaphore(%arg10 : memref<!tpu.dma_semaphore, #tpu.memory_space<semaphore_mem>>) src(%dma_wait3A_55 : memref<80x8xf32, #tpu.memory_space<vmem>>) dst(%dma_wait3A_60 : memref<10000x8xf32, #tpu.memory_space<vmem_shared>>)
    %barrier3A_61 = arith.constant 0 : index
    tpu.barrier barrier_id(%barrier3A_61)
    %lt3A_62 = arith.constant 15 : i32
    %lt3A_63 = arith.cmpi slt, %arg1, %lt3A_62 : i32
    %convert_element_type3A_64 = arith.extui %lt3A_63 : i1 to i32
    %cond3A_65 = arith.constant 0 : i32
    %cond3A_66 = arith.cmpi ne, %convert_element_type3A_64, %cond3A_65 : i32
    scf.if %cond3A_66 {
      %mul3A_72 = arith.constant 624 : i32
      %mul3A_73 = arith.muli %arg1, %mul3A_72 : i32
      %mul3A_74 = arith.constant 624 : i32
      %mul3A_75 = arith.muli %arg1, %mul3A_74 : i32
      "tpu.region"() ({
        %run_scoped3A = tpu.sem_alloc : memref<!tpu.dma_semaphore, #tpu.memory_space<semaphore_mem>>
        %dma_start3A_76 = arith.constant 0 : i32
        %dma_start3A_77 = tpu.memref_slice %arg5[%arg0, %mul3A_75, %dma_start3A_76] : memref<2x10000x8xf32, #tpu.memory_space<hbm>> -> memref<1x624x8xf32, #tpu.memory_space<hbm>>
        %dma_start3A_78 = tpu.memref_squeeze %dma_start3A_77 : memref<1x624x8xf32, #tpu.memory_space<hbm>> -> memref<624x8xf32, #tpu.memory_space<hbm>>
        %dma_start3A_79 = arith.constant 0 : i32
        %dma_start3A_80 = tpu.memref_slice %arg8[%mul3A_73, %dma_start3A_79] : memref<10000x8xf32, #tpu.memory_space<vmem_shared>> -> memref<624x8xf32, #tpu.memory_space<vmem_shared>>
        tpu.enqueue_dma source(%dma_start3A_80 : memref<624x8xf32, #tpu.memory_space<vmem_shared>>) target(%dma_start3A_78 : memref<624x8xf32, #tpu.memory_space<hbm>>) target_semaphore(%run_scoped3A : memref<!tpu.dma_semaphore, #tpu.memory_space<semaphore_mem>>)
        %dma_wait3A_81 = arith.constant 0 : i32
        %dma_wait3A_82 = tpu.memref_slice %arg5[%arg0, %mul3A_75, %dma_wait3A_81] : memref<2x10000x8xf32, #tpu.memory_space<hbm>> -> memref<1x624x8xf32, #tpu.memory_space<hbm>>
        %dma_wait3A_83 = tpu.memref_squeeze %dma_wait3A_82 : memref<1x624x8xf32, #tpu.memory_space<hbm>> -> memref<624x8xf32, #tpu.memory_space<hbm>>
        %dma_wait3A_84 = arith.constant 0 : i32
        %dma_wait3A_85 = tpu.memref_slice %arg8[%mul3A_73, %dma_wait3A_84] : memref<10000x8xf32, #tpu.memory_space<vmem_shared>> -> memref<624x8xf32, #tpu.memory_space<vmem_shared>>
        tpu.wait_dma2 semaphore(%run_scoped3A : memref<!tpu.dma_semaphore, #tpu.memory_space<semaphore_mem>>) src(%dma_wait3A_85 : memref<624x8xf32, #tpu.memory_space<vmem_shared>>) dst(%dma_wait3A_83 : memref<624x8xf32, #tpu.memory_space<hbm>>)
        tpu.yield
      }) : () -> ()
    } else {
    }
    %eq3A_67 = arith.constant 15 : i32
    %eq3A_68 = arith.cmpi eq, %arg1, %eq3A_67 : i32
    %convert_element_type3A_69 = arith.extui %eq3A_68 : i1 to i32
    %cond3A_70 = arith.constant 0 : i32
    %cond3A_71 = arith.cmpi ne, %convert_element_type3A_69, %cond3A_70 : i32
    scf.if %cond3A_71 {
      "tpu.region"() ({
        %run_scoped3A = tpu.sem_alloc : memref<!tpu.dma_semaphore, #tpu.memory_space<semaphore_mem>>
        %dma_start3A_72 = arith.constant 9360 : i32
        %dma_start3A_73 = arith.constant 0 : i32
        %dma_start3A_74 = tpu.memref_slice %arg5[%arg0, %dma_start3A_72, %dma_start3A_73] : memref<2x10000x8xf32, #tpu.memory_space<hbm>> -> memref<1x640x8xf32, #tpu.memory_space<hbm>>
        %dma_start3A_75 = tpu.memref_squeeze %dma_start3A_74 : memref<1x640x8xf32, #tpu.memory_space<hbm>> -> memref<640x8xf32, #tpu.memory_space<hbm>>
        %dma_start3A_76 = arith.constant 9360 : i32
        %dma_start3A_77 = arith.constant 0 : i32
        %dma_start3A_78 = tpu.memref_slice %arg8[%dma_start3A_76, %dma_start3A_77] : memref<10000x8xf32, #tpu.memory_space<vmem_shared>> -> memref<640x8xf32, #tpu.memory_space<vmem_shared>>
        tpu.enqueue_dma source(%dma_start3A_78 : memref<640x8xf32, #tpu.memory_space<vmem_shared>>) target(%dma_start3A_75 : memref<640x8xf32, #tpu.memory_space<hbm>>) target_semaphore(%run_scoped3A : memref<!tpu.dma_semaphore, #tpu.memory_space<semaphore_mem>>)
        %dma_wait3A_79 = arith.constant 9360 : i32
        %dma_wait3A_80 = arith.constant 0 : i32
        %dma_wait3A_81 = tpu.memref_slice %arg5[%arg0, %dma_wait3A_79, %dma_wait3A_80] : memref<2x10000x8xf32, #tpu.memory_space<hbm>> -> memref<1x640x8xf32, #tpu.memory_space<hbm>>
        %dma_wait3A_82 = tpu.memref_squeeze %dma_wait3A_81 : memref<1x640x8xf32, #tpu.memory_space<hbm>> -> memref<640x8xf32, #tpu.memory_space<hbm>>
        %dma_wait3A_83 = arith.constant 9360 : i32
        %dma_wait3A_84 = arith.constant 0 : i32
        %dma_wait3A_85 = tpu.memref_slice %arg8[%dma_wait3A_83, %dma_wait3A_84] : memref<10000x8xf32, #tpu.memory_space<vmem_shared>> -> memref<640x8xf32, #tpu.memory_space<vmem_shared>>
        tpu.wait_dma2 semaphore(%run_scoped3A : memref<!tpu.dma_semaphore, #tpu.memory_space<semaphore_mem>>) src(%dma_wait3A_85 : memref<640x8xf32, #tpu.memory_space<vmem_shared>>) dst(%dma_wait3A_82 : memref<640x8xf32, #tpu.memory_space<hbm>>)
        tpu.yield
      }) : () -> ()
    } else {
    }
    return
  }
}

#map = affine_map<(d0, d1) -> (0, 0)>
#map1 = affine_map<(d0, d1) -> (0)>
module attributes {stable_mosaic.version = 14 : i64} {
  func.func @k(%arg0: i32, %arg1: i32, %arg2: memref<10000x128xf32, #tpu.memory_space<hbm>>, %arg3: memref<10000x256xf32, #tpu.memory_space<hbm>>, %arg4: memref<320000xi32, #tpu.memory_space<hbm>>, %arg5: memref<320000xi32, #tpu.memory_space<hbm>>, %arg6: memref<320000x128xf32, #tpu.memory_space<hbm>>, %arg7: memref<320000x256xf32, #tpu.memory_space<hbm>>, %arg8: memref<10000xi32, #tpu.memory_space<vmem>>, %arg9: memref<10000xi32, #tpu.memory_space<vmem>>, %arg10: memref<240x128xf32, #tpu.memory_space<vmem>>, %arg11: memref<240x256xf32, #tpu.memory_space<vmem>>, %arg12: memref<!tpu.dma_semaphore, #tpu.memory_space<semaphore_mem>>, %arg13: memref<!tpu.dma_semaphore, #tpu.memory_space<semaphore_mem>>) attributes {dimension_semantics = [#tpu.dimension_semantics<core_parallel>, #tpu.dimension_semantics<subcore_parallel>], iteration_bounds = array<i64: 2, 16>, scalar_prefetch = 0 : i64, scratch_operands = 6 : i64, tpu.core_type = #tpu.core_type<sc_vector_subcore>, window_params = [{transform_indices = #map}, {transform_indices = #map}, {transform_indices = #map1}, {transform_indices = #map1}, {transform_indices = #map}, {transform_indices = #map}]} {
    %mul3A = arith.constant 2 : i32
    %mul3A_0 = arith.muli %arg1, %mul3A : i32
    %add3A = arith.addi %mul3A_0, %arg0 : i32
    %mul3A_1 = arith.constant 10000 : i32
    %mul3A_2 = arith.muli %add3A, %mul3A_1 : i32
    "tpu.region"() ({
      %run_scoped3A = tpu.sem_alloc : memref<!tpu.dma_semaphore, #tpu.memory_space<semaphore_mem>>
      %dma_start3A_111 = tpu.memref_slice %arg4[%mul3A_2] : memref<320000xi32, #tpu.memory_space<hbm>> -> memref<10000xi32, #tpu.memory_space<hbm>>
      %dma_start3A_112 = tpu.memref_slice %arg4[%mul3A_2] : memref<320000xi32, #tpu.memory_space<hbm>> -> memref<10000xi32, #tpu.memory_space<hbm>>
      tpu.enqueue_dma source(%dma_start3A_112 : memref<10000xi32, #tpu.memory_space<hbm>>) target(%arg8 : memref<10000xi32, #tpu.memory_space<vmem>>) target_semaphore(%run_scoped3A : memref<!tpu.dma_semaphore, #tpu.memory_space<semaphore_mem>>)
      %dma_wait3A_113 = tpu.memref_slice %arg4[%mul3A_2] : memref<320000xi32, #tpu.memory_space<hbm>> -> memref<10000xi32, #tpu.memory_space<hbm>>
      %dma_wait3A_114 = tpu.memref_slice %arg4[%mul3A_2] : memref<320000xi32, #tpu.memory_space<hbm>> -> memref<10000xi32, #tpu.memory_space<hbm>>
      tpu.wait_dma2 semaphore(%run_scoped3A : memref<!tpu.dma_semaphore, #tpu.memory_space<semaphore_mem>>) src(%dma_wait3A_114 : memref<10000xi32, #tpu.memory_space<hbm>>) dst(%arg8 : memref<10000xi32, #tpu.memory_space<vmem>>)
      tpu.yield
    }) : () -> ()
    "tpu.region"() ({
      %run_scoped3A = tpu.sem_alloc : memref<!tpu.dma_semaphore, #tpu.memory_space<semaphore_mem>>
      %dma_start3A_111 = tpu.memref_slice %arg5[%mul3A_2] : memref<320000xi32, #tpu.memory_space<hbm>> -> memref<10000xi32, #tpu.memory_space<hbm>>
      %dma_start3A_112 = tpu.memref_slice %arg5[%mul3A_2] : memref<320000xi32, #tpu.memory_space<hbm>> -> memref<10000xi32, #tpu.memory_space<hbm>>
      tpu.enqueue_dma source(%dma_start3A_112 : memref<10000xi32, #tpu.memory_space<hbm>>) target(%arg9 : memref<10000xi32, #tpu.memory_space<vmem>>) target_semaphore(%run_scoped3A : memref<!tpu.dma_semaphore, #tpu.memory_space<semaphore_mem>>)
      %dma_wait3A_113 = tpu.memref_slice %arg5[%mul3A_2] : memref<320000xi32, #tpu.memory_space<hbm>> -> memref<10000xi32, #tpu.memory_space<hbm>>
      %dma_wait3A_114 = tpu.memref_slice %arg5[%mul3A_2] : memref<320000xi32, #tpu.memory_space<hbm>> -> memref<10000xi32, #tpu.memory_space<hbm>>
      tpu.wait_dma2 semaphore(%run_scoped3A : memref<!tpu.dma_semaphore, #tpu.memory_space<semaphore_mem>>) src(%dma_wait3A_114 : memref<10000xi32, #tpu.memory_space<hbm>>) dst(%arg9 : memref<10000xi32, #tpu.memory_space<vmem>>)
      tpu.yield
    }) : () -> ()
    %dma_start3A = arith.constant 0 : i32
    %dma_start3A_3 = arith.constant 0 : i32
    %dma_start3A_4 = tpu.memref_slice %arg10[%dma_start3A, %dma_start3A_3] : memref<240x128xf32, #tpu.memory_space<vmem>> -> memref<80x128xf32, #tpu.memory_space<vmem>>
    %dma_start3A_5 = arith.constant 0 : i32
    %dma_start3A_6 = tpu.memref_slice %arg8[%dma_start3A_5] : memref<10000xi32, #tpu.memory_space<vmem>> -> memref<80xi32, #tpu.memory_space<vmem>>
    %dma_start3A_7 = arith.constant 0 : i32
    %dma_start3A_8 = arith.constant 0 : i32
    %dma_start3A_9 = tpu.memref_slice %arg2[%dma_start3A_7, %dma_start3A_8] : memref<10000x128xf32, #tpu.memory_space<hbm>> -> memref<10000x128xf32, #tpu.memory_space<hbm>>
    tpu.enqueue_indirect_dma source(%dma_start3A_9 : memref<10000x128xf32, #tpu.memory_space<hbm>>) target(%dma_start3A_4 : memref<80x128xf32, #tpu.memory_space<vmem>>) offsets(%dma_start3A_6 : memref<80xi32, #tpu.memory_space<vmem>>) semaphore(%arg12 : memref<!tpu.dma_semaphore, #tpu.memory_space<semaphore_mem>>)
    %dma_start3A_10 = arith.constant 0 : i32
    %dma_start3A_11 = arith.constant 0 : i32
    %dma_start3A_12 = tpu.memref_slice %arg11[%dma_start3A_10, %dma_start3A_11] : memref<240x256xf32, #tpu.memory_space<vmem>> -> memref<80x256xf32, #tpu.memory_space<vmem>>
    %dma_start3A_13 = arith.constant 0 : i32
    %dma_start3A_14 = tpu.memref_slice %arg9[%dma_start3A_13] : memref<10000xi32, #tpu.memory_space<vmem>> -> memref<80xi32, #tpu.memory_space<vmem>>
    %dma_start3A_15 = arith.constant 0 : i32
    %dma_start3A_16 = arith.constant 0 : i32
    %dma_start3A_17 = tpu.memref_slice %arg3[%dma_start3A_15, %dma_start3A_16] : memref<10000x256xf32, #tpu.memory_space<hbm>> -> memref<10000x256xf32, #tpu.memory_space<hbm>>
    tpu.enqueue_indirect_dma source(%dma_start3A_17 : memref<10000x256xf32, #tpu.memory_space<hbm>>) target(%dma_start3A_12 : memref<80x256xf32, #tpu.memory_space<vmem>>) offsets(%dma_start3A_14 : memref<80xi32, #tpu.memory_space<vmem>>) semaphore(%arg12 : memref<!tpu.dma_semaphore, #tpu.memory_space<semaphore_mem>>)
    %dma_start3A_18 = arith.constant 80 : i32
    %dma_start3A_19 = arith.constant 0 : i32
    %dma_start3A_20 = tpu.memref_slice %arg10[%dma_start3A_18, %dma_start3A_19] : memref<240x128xf32, #tpu.memory_space<vmem>> -> memref<80x128xf32, #tpu.memory_space<vmem>>
    %dma_start3A_21 = arith.constant 80 : i32
    %dma_start3A_22 = tpu.memref_slice %arg8[%dma_start3A_21] : memref<10000xi32, #tpu.memory_space<vmem>> -> memref<80xi32, #tpu.memory_space<vmem>>
    %dma_start3A_23 = arith.constant 0 : i32
    %dma_start3A_24 = arith.constant 0 : i32
    %dma_start3A_25 = tpu.memref_slice %arg2[%dma_start3A_23, %dma_start3A_24] : memref<10000x128xf32, #tpu.memory_space<hbm>> -> memref<10000x128xf32, #tpu.memory_space<hbm>>
    tpu.enqueue_indirect_dma source(%dma_start3A_25 : memref<10000x128xf32, #tpu.memory_space<hbm>>) target(%dma_start3A_20 : memref<80x128xf32, #tpu.memory_space<vmem>>) offsets(%dma_start3A_22 : memref<80xi32, #tpu.memory_space<vmem>>) semaphore(%arg12 : memref<!tpu.dma_semaphore, #tpu.memory_space<semaphore_mem>>)
    %dma_start3A_26 = arith.constant 80 : i32
    %dma_start3A_27 = arith.constant 0 : i32
    %dma_start3A_28 = tpu.memref_slice %arg11[%dma_start3A_26, %dma_start3A_27] : memref<240x256xf32, #tpu.memory_space<vmem>> -> memref<80x256xf32, #tpu.memory_space<vmem>>
    %dma_start3A_29 = arith.constant 80 : i32
    %dma_start3A_30 = tpu.memref_slice %arg9[%dma_start3A_29] : memref<10000xi32, #tpu.memory_space<vmem>> -> memref<80xi32, #tpu.memory_space<vmem>>
    %dma_start3A_31 = arith.constant 0 : i32
    %dma_start3A_32 = arith.constant 0 : i32
    %dma_start3A_33 = tpu.memref_slice %arg3[%dma_start3A_31, %dma_start3A_32] : memref<10000x256xf32, #tpu.memory_space<hbm>> -> memref<10000x256xf32, #tpu.memory_space<hbm>>
    tpu.enqueue_indirect_dma source(%dma_start3A_33 : memref<10000x256xf32, #tpu.memory_space<hbm>>) target(%dma_start3A_28 : memref<80x256xf32, #tpu.memory_space<vmem>>) offsets(%dma_start3A_30 : memref<80xi32, #tpu.memory_space<vmem>>) semaphore(%arg12 : memref<!tpu.dma_semaphore, #tpu.memory_space<semaphore_mem>>)
    %scan3A = arith.constant 0 : i32
    %scan3A_34 = arith.constant 0 : i32
    %scan3A_35 = arith.constant 125 : i32
    %scan3A_36 = arith.addi %scan3A_34, %scan3A_35 : i32
    %scan3A_37 = arith.constant 1 : i32
    %scan3A_38 = scf.for %scan3A_111 = %scan3A_34 to %scan3A_36 step %scan3A_37 iter_args(%scan3A_112 = %scan3A) -> (i32)  : i32 {
      %rem3A = arith.constant 3 : i32
      %rem3A_113 = arith.remsi %scan3A_111, %rem3A : i32
      %add3A_114 = arith.constant 2 : i32
      %add3A_115 = arith.addi %scan3A_111, %add3A_114 : i32
      %rem3A_116 = arith.constant 3 : i32
      %rem3A_117 = arith.remsi %add3A_115, %rem3A_116 : i32
      %lt3A = arith.constant 125 : i32
      %lt3A_118 = arith.cmpi slt, %add3A_115, %lt3A : i32
      %convert_element_type3A = arith.extui %lt3A_118 : i1 to i32
      %cond3A = arith.constant 0 : i32
      %cond3A_119 = arith.cmpi ne, %convert_element_type3A, %cond3A : i32
      scf.if %cond3A_119 {
        %ge3A = arith.constant 1 : i32
        %ge3A_167 = arith.cmpi sge, %scan3A_111, %ge3A : i32
        %convert_element_type3A_168 = arith.extui %ge3A_167 : i1 to i32
        %cond3A_169 = arith.constant 0 : i32
        %cond3A_170 = arith.cmpi ne, %convert_element_type3A_168, %cond3A_169 : i32
        scf.if %cond3A_170 {
          %sub3A = arith.constant 1 : i32
          %sub3A_191 = arith.subi %scan3A_111, %sub3A : i32
          %sub3A_192 = arith.constant 1 : i32
          %sub3A_193 = arith.subi %scan3A_111, %sub3A_192 : i32
          %rem3A_194 = arith.constant 3 : i32
          %rem3A_195 = arith.remsi %sub3A_193, %rem3A_194 : i32
          %mul3A_196 = arith.constant 80 : i32
          %mul3A_197 = arith.muli %rem3A_195, %mul3A_196 : i32
          %mul3A_198 = arith.constant 80 : i32
          %mul3A_199 = arith.muli %sub3A_191, %mul3A_198 : i32
          %add3A_200 = arith.addi %mul3A_2, %mul3A_199 : i32
          %dma_wait3A_201 = arith.constant 0 : i32
          %dma_wait3A_202 = tpu.memref_slice %arg10[%mul3A_197, %dma_wait3A_201] : memref<240x128xf32, #tpu.memory_space<vmem>> -> memref<80x128xf32, #tpu.memory_space<vmem>>
          %dma_wait3A_203 = arith.constant 0 : i32
          %dma_wait3A_204 = tpu.memref_slice %arg6[%add3A_200, %dma_wait3A_203] : memref<320000x128xf32, #tpu.memory_space<hbm>> -> memref<80x128xf32, #tpu.memory_space<hbm>>
          %dma_wait3A_205 = arith.constant 0 : i32
          %dma_wait3A_206 = tpu.memref_slice %arg6[%add3A_200, %dma_wait3A_205] : memref<320000x128xf32, #tpu.memory_space<hbm>> -> memref<80x128xf32, #tpu.memory_space<hbm>>
          %dma_wait3A_207 = arith.constant 0 : i32
          %dma_wait3A_208 = tpu.memref_slice %arg10[%mul3A_197, %dma_wait3A_207] : memref<240x128xf32, #tpu.memory_space<vmem>> -> memref<80x128xf32, #tpu.memory_space<vmem>>
          tpu.wait_dma2 semaphore(%arg13 : memref<!tpu.dma_semaphore, #tpu.memory_space<semaphore_mem>>) src(%dma_wait3A_208 : memref<80x128xf32, #tpu.memory_space<vmem>>) dst(%dma_wait3A_206 : memref<80x128xf32, #tpu.memory_space<hbm>>)
          %mul3A_209 = arith.constant 80 : i32
          %mul3A_210 = arith.muli %rem3A_195, %mul3A_209 : i32
          %mul3A_211 = arith.constant 80 : i32
          %mul3A_212 = arith.muli %sub3A_191, %mul3A_211 : i32
          %add3A_213 = arith.addi %mul3A_2, %mul3A_212 : i32
          %dma_wait3A_214 = arith.constant 0 : i32
          %dma_wait3A_215 = tpu.memref_slice %arg11[%mul3A_210, %dma_wait3A_214] : memref<240x256xf32, #tpu.memory_space<vmem>> -> memref<80x256xf32, #tpu.memory_space<vmem>>
          %dma_wait3A_216 = arith.constant 0 : i32
          %dma_wait3A_217 = tpu.memref_slice %arg7[%add3A_213, %dma_wait3A_216] : memref<320000x256xf32, #tpu.memory_space<hbm>> -> memref<80x256xf32, #tpu.memory_space<hbm>>
          %dma_wait3A_218 = arith.constant 0 : i32
          %dma_wait3A_219 = tpu.memref_slice %arg7[%add3A_213, %dma_wait3A_218] : memref<320000x256xf32, #tpu.memory_space<hbm>> -> memref<80x256xf32, #tpu.memory_space<hbm>>
          %dma_wait3A_220 = arith.constant 0 : i32
          %dma_wait3A_221 = tpu.memref_slice %arg11[%mul3A_210, %dma_wait3A_220] : memref<240x256xf32, #tpu.memory_space<vmem>> -> memref<80x256xf32, #tpu.memory_space<vmem>>
          tpu.wait_dma2 semaphore(%arg13 : memref<!tpu.dma_semaphore, #tpu.memory_space<semaphore_mem>>) src(%dma_wait3A_221 : memref<80x256xf32, #tpu.memory_space<vmem>>) dst(%dma_wait3A_219 : memref<80x256xf32, #tpu.memory_space<hbm>>)
        } else {
        }
        %mul3A_171 = arith.constant 80 : i32
        %mul3A_172 = arith.muli %add3A_115, %mul3A_171 : i32
        %mul3A_173 = arith.constant 80 : i32
        %mul3A_174 = arith.muli %rem3A_117, %mul3A_173 : i32
        %dma_start3A_175 = arith.constant 0 : i32
        %dma_start3A_176 = tpu.memref_slice %arg10[%mul3A_174, %dma_start3A_175] : memref<240x128xf32, #tpu.memory_space<vmem>> -> memref<80x128xf32, #tpu.memory_space<vmem>>
        %dma_start3A_177 = tpu.memref_slice %arg8[%mul3A_172] : memref<10000xi32, #tpu.memory_space<vmem>> -> memref<80xi32, #tpu.memory_space<vmem>>
        %dma_start3A_178 = arith.constant 0 : i32
        %dma_start3A_179 = arith.constant 0 : i32
        %dma_start3A_180 = tpu.memref_slice %arg2[%dma_start3A_178, %dma_start3A_179] : memref<10000x128xf32, #tpu.memory_space<hbm>> -> memref<10000x128xf32, #tpu.memory_space<hbm>>
        tpu.enqueue_indirect_dma source(%dma_start3A_180 : memref<10000x128xf32, #tpu.memory_space<hbm>>) target(%dma_start3A_176 : memref<80x128xf32, #tpu.memory_space<vmem>>) offsets(%dma_start3A_177 : memref<80xi32, #tpu.memory_space<vmem>>) semaphore(%arg12 : memref<!tpu.dma_semaphore, #tpu.memory_space<semaphore_mem>>)
        %mul3A_181 = arith.constant 80 : i32
        %mul3A_182 = arith.muli %add3A_115, %mul3A_181 : i32
        %mul3A_183 = arith.constant 80 : i32
        %mul3A_184 = arith.muli %rem3A_117, %mul3A_183 : i32
        %dma_start3A_185 = arith.constant 0 : i32
        %dma_start3A_186 = tpu.memref_slice %arg11[%mul3A_184, %dma_start3A_185] : memref<240x256xf32, #tpu.memory_space<vmem>> -> memref<80x256xf32, #tpu.memory_space<vmem>>
        %dma_start3A_187 = tpu.memref_slice %arg9[%mul3A_182] : memref<10000xi32, #tpu.memory_space<vmem>> -> memref<80xi32, #tpu.memory_space<vmem>>
        %dma_start3A_188 = arith.constant 0 : i32
        %dma_start3A_189 = arith.constant 0 : i32
        %dma_start3A_190 = tpu.memref_slice %arg3[%dma_start3A_188, %dma_start3A_189] : memref<10000x256xf32, #tpu.memory_space<hbm>> -> memref<10000x256xf32, #tpu.memory_space<hbm>>
        tpu.enqueue_indirect_dma source(%dma_start3A_190 : memref<10000x256xf32, #tpu.memory_space<hbm>>) target(%dma_start3A_186 : memref<80x256xf32, #tpu.memory_space<vmem>>) offsets(%dma_start3A_187 : memref<80xi32, #tpu.memory_space<vmem>>) semaphore(%arg12 : memref<!tpu.dma_semaphore, #tpu.memory_space<semaphore_mem>>)
      } else {
      }
      %mul3A_120 = arith.constant 80 : i32
      %mul3A_121 = arith.muli %scan3A_111, %mul3A_120 : i32
      %mul3A_122 = arith.constant 80 : i32
      %mul3A_123 = arith.muli %rem3A_113, %mul3A_122 : i32
      %dma_wait3A_124 = arith.constant 0 : i32
      %dma_wait3A_125 = tpu.memref_slice %arg10[%mul3A_123, %dma_wait3A_124] : memref<240x128xf32, #tpu.memory_space<vmem>> -> memref<80x128xf32, #tpu.memory_space<vmem>>
      %dma_wait3A_126 = tpu.memref_slice %arg8[%mul3A_121] : memref<10000xi32, #tpu.memory_space<vmem>> -> memref<80xi32, #tpu.memory_space<vmem>>
      %dma_wait3A_127 = arith.constant 0 : i32
      %dma_wait3A_128 = arith.constant 0 : i32
      %dma_wait3A_129 = tpu.memref_slice %arg2[%dma_wait3A_127, %dma_wait3A_128] : memref<10000x128xf32, #tpu.memory_space<hbm>> -> memref<10000x128xf32, #tpu.memory_space<hbm>>
      tpu.wait_indirect_dma semaphore(%arg12 : memref<!tpu.dma_semaphore, #tpu.memory_space<semaphore_mem>>) src(%dma_wait3A_129 : memref<10000x128xf32, #tpu.memory_space<hbm>>) dst(%dma_wait3A_125 : memref<80x128xf32, #tpu.memory_space<vmem>>)
      %mul3A_130 = arith.constant 80 : i32
      %mul3A_131 = arith.muli %scan3A_111, %mul3A_130 : i32
      %mul3A_132 = arith.constant 80 : i32
      %mul3A_133 = arith.muli %rem3A_113, %mul3A_132 : i32
      %dma_wait3A_134 = arith.constant 0 : i32
      %dma_wait3A_135 = tpu.memref_slice %arg11[%mul3A_133, %dma_wait3A_134] : memref<240x256xf32, #tpu.memory_space<vmem>> -> memref<80x256xf32, #tpu.memory_space<vmem>>
      %dma_wait3A_136 = tpu.memref_slice %arg9[%mul3A_131] : memref<10000xi32, #tpu.memory_space<vmem>> -> memref<80xi32, #tpu.memory_space<vmem>>
      %dma_wait3A_137 = arith.constant 0 : i32
      %dma_wait3A_138 = arith.constant 0 : i32
      %dma_wait3A_139 = tpu.memref_slice %arg3[%dma_wait3A_137, %dma_wait3A_138] : memref<10000x256xf32, #tpu.memory_space<hbm>> -> memref<10000x256xf32, #tpu.memory_space<hbm>>
      tpu.wait_indirect_dma semaphore(%arg12 : memref<!tpu.dma_semaphore, #tpu.memory_space<semaphore_mem>>) src(%dma_wait3A_139 : memref<10000x256xf32, #tpu.memory_space<hbm>>) dst(%dma_wait3A_135 : memref<80x256xf32, #tpu.memory_space<vmem>>)
      %mul3A_140 = arith.constant 80 : i32
      %mul3A_141 = arith.muli %rem3A_113, %mul3A_140 : i32
      %mul3A_142 = arith.constant 80 : i32
      %mul3A_143 = arith.muli %scan3A_111, %mul3A_142 : i32
      %add3A_144 = arith.addi %mul3A_2, %mul3A_143 : i32
      %dma_start3A_145 = arith.constant 0 : i32
      %dma_start3A_146 = tpu.memref_slice %arg10[%mul3A_141, %dma_start3A_145] : memref<240x128xf32, #tpu.memory_space<vmem>> -> memref<80x128xf32, #tpu.memory_space<vmem>>
      %dma_start3A_147 = arith.constant 0 : i32
      %dma_start3A_148 = tpu.memref_slice %arg6[%add3A_144, %dma_start3A_147] : memref<320000x128xf32, #tpu.memory_space<hbm>> -> memref<80x128xf32, #tpu.memory_space<hbm>>
      %dma_start3A_149 = arith.constant 0 : i32
      %dma_start3A_150 = tpu.memref_slice %arg6[%add3A_144, %dma_start3A_149] : memref<320000x128xf32, #tpu.memory_space<hbm>> -> memref<80x128xf32, #tpu.memory_space<hbm>>
      %dma_start3A_151 = arith.constant 0 : i32
      %dma_start3A_152 = tpu.memref_slice %arg10[%mul3A_141, %dma_start3A_151] : memref<240x128xf32, #tpu.memory_space<vmem>> -> memref<80x128xf32, #tpu.memory_space<vmem>>
      tpu.enqueue_dma source(%dma_start3A_152 : memref<80x128xf32, #tpu.memory_space<vmem>>) target(%dma_start3A_150 : memref<80x128xf32, #tpu.memory_space<hbm>>) target_semaphore(%arg13 : memref<!tpu.dma_semaphore, #tpu.memory_space<semaphore_mem>>)
      %mul3A_153 = arith.constant 80 : i32
      %mul3A_154 = arith.muli %rem3A_113, %mul3A_153 : i32
      %mul3A_155 = arith.constant 80 : i32
      %mul3A_156 = arith.muli %scan3A_111, %mul3A_155 : i32
      %add3A_157 = arith.addi %mul3A_2, %mul3A_156 : i32
      %dma_start3A_158 = arith.constant 0 : i32
      %dma_start3A_159 = tpu.memref_slice %arg11[%mul3A_154, %dma_start3A_158] : memref<240x256xf32, #tpu.memory_space<vmem>> -> memref<80x256xf32, #tpu.memory_space<vmem>>
      %dma_start3A_160 = arith.constant 0 : i32
      %dma_start3A_161 = tpu.memref_slice %arg7[%add3A_157, %dma_start3A_160] : memref<320000x256xf32, #tpu.memory_space<hbm>> -> memref<80x256xf32, #tpu.memory_space<hbm>>
      %dma_start3A_162 = arith.constant 0 : i32
      %dma_start3A_163 = tpu.memref_slice %arg7[%add3A_157, %dma_start3A_162] : memref<320000x256xf32, #tpu.memory_space<hbm>> -> memref<80x256xf32, #tpu.memory_space<hbm>>
      %dma_start3A_164 = arith.constant 0 : i32
      %dma_start3A_165 = tpu.memref_slice %arg11[%mul3A_154, %dma_start3A_164] : memref<240x256xf32, #tpu.memory_space<vmem>> -> memref<80x256xf32, #tpu.memory_space<vmem>>
      tpu.enqueue_dma source(%dma_start3A_165 : memref<80x256xf32, #tpu.memory_space<vmem>>) target(%dma_start3A_163 : memref<80x256xf32, #tpu.memory_space<hbm>>) target_semaphore(%arg13 : memref<!tpu.dma_semaphore, #tpu.memory_space<semaphore_mem>>)
      %scan3A_166 = arith.constant 0 : i32
      scf.yield %scan3A_166 : i32
    }
    %scan3A_39 = arith.constant 125 : i32
    %add3A_40 = arith.constant 9760 : i32
    %add3A_41 = arith.addi %mul3A_2, %add3A_40 : i32
    %dma_wait3A = arith.constant 160 : i32
    %dma_wait3A_42 = arith.constant 0 : i32
    %dma_wait3A_43 = tpu.memref_slice %arg10[%dma_wait3A, %dma_wait3A_42] : memref<240x128xf32, #tpu.memory_space<vmem>> -> memref<80x128xf32, #tpu.memory_space<vmem>>
    %dma_wait3A_44 = arith.constant 0 : i32
    %dma_wait3A_45 = tpu.memref_slice %arg6[%add3A_41, %dma_wait3A_44] : memref<320000x128xf32, #tpu.memory_space<hbm>> -> memref<80x128xf32, #tpu.memory_space<hbm>>
    %dma_wait3A_46 = arith.constant 0 : i32
    %dma_wait3A_47 = tpu.memref_slice %arg6[%add3A_41, %dma_wait3A_46] : memref<320000x128xf32, #tpu.memory_space<hbm>> -> memref<80x128xf32, #tpu.memory_space<hbm>>
    %dma_wait3A_48 = arith.constant 160 : i32
    %dma_wait3A_49 = arith.constant 0 : i32
    %dma_wait3A_50 = tpu.memref_slice %arg10[%dma_wait3A_48, %dma_wait3A_49] : memref<240x128xf32, #tpu.memory_space<vmem>> -> memref<80x128xf32, #tpu.memory_space<vmem>>
    tpu.wait_dma2 semaphore(%arg13 : memref<!tpu.dma_semaphore, #tpu.memory_space<semaphore_mem>>) src(%dma_wait3A_50 : memref<80x128xf32, #tpu.memory_space<vmem>>) dst(%dma_wait3A_47 : memref<80x128xf32, #tpu.memory_space<hbm>>)
    %add3A_51 = arith.constant 9760 : i32
    %add3A_52 = arith.addi %mul3A_2, %add3A_51 : i32
    %dma_wait3A_53 = arith.constant 160 : i32
    %dma_wait3A_54 = arith.constant 0 : i32
    %dma_wait3A_55 = tpu.memref_slice %arg11[%dma_wait3A_53, %dma_wait3A_54] : memref<240x256xf32, #tpu.memory_space<vmem>> -> memref<80x256xf32, #tpu.memory_space<vmem>>
    %dma_wait3A_56 = arith.constant 0 : i32
    %dma_wait3A_57 = tpu.memref_slice %arg7[%add3A_52, %dma_wait3A_56] : memref<320000x256xf32, #tpu.memory_space<hbm>> -> memref<80x256xf32, #tpu.memory_space<hbm>>
    %dma_wait3A_58 = arith.constant 0 : i32
    %dma_wait3A_59 = tpu.memref_slice %arg7[%add3A_52, %dma_wait3A_58] : memref<320000x256xf32, #tpu.memory_space<hbm>> -> memref<80x256xf32, #tpu.memory_space<hbm>>
    %dma_wait3A_60 = arith.constant 160 : i32
    %dma_wait3A_61 = arith.constant 0 : i32
    %dma_wait3A_62 = tpu.memref_slice %arg11[%dma_wait3A_60, %dma_wait3A_61] : memref<240x256xf32, #tpu.memory_space<vmem>> -> memref<80x256xf32, #tpu.memory_space<vmem>>
    tpu.wait_dma2 semaphore(%arg13 : memref<!tpu.dma_semaphore, #tpu.memory_space<semaphore_mem>>) src(%dma_wait3A_62 : memref<80x256xf32, #tpu.memory_space<vmem>>) dst(%dma_wait3A_59 : memref<80x256xf32, #tpu.memory_space<hbm>>)
    %add3A_63 = arith.constant 9840 : i32
    %add3A_64 = arith.addi %mul3A_2, %add3A_63 : i32
    %dma_wait3A_65 = arith.constant 0 : i32
    %dma_wait3A_66 = arith.constant 0 : i32
    %dma_wait3A_67 = tpu.memref_slice %arg10[%dma_wait3A_65, %dma_wait3A_66] : memref<240x128xf32, #tpu.memory_space<vmem>> -> memref<80x128xf32, #tpu.memory_space<vmem>>
    %dma_wait3A_68 = arith.constant 0 : i32
    %dma_wait3A_69 = tpu.memref_slice %arg6[%add3A_64, %dma_wait3A_68] : memref<320000x128xf32, #tpu.memory_space<hbm>> -> memref<80x128xf32, #tpu.memory_space<hbm>>
    %dma_wait3A_70 = arith.constant 0 : i32
    %dma_wait3A_71 = tpu.memref_slice %arg6[%add3A_64, %dma_wait3A_70] : memref<320000x128xf32, #tpu.memory_space<hbm>> -> memref<80x128xf32, #tpu.memory_space<hbm>>
    %dma_wait3A_72 = arith.constant 0 : i32
    %dma_wait3A_73 = arith.constant 0 : i32
    %dma_wait3A_74 = tpu.memref_slice %arg10[%dma_wait3A_72, %dma_wait3A_73] : memref<240x128xf32, #tpu.memory_space<vmem>> -> memref<80x128xf32, #tpu.memory_space<vmem>>
    tpu.wait_dma2 semaphore(%arg13 : memref<!tpu.dma_semaphore, #tpu.memory_space<semaphore_mem>>) src(%dma_wait3A_74 : memref<80x128xf32, #tpu.memory_space<vmem>>) dst(%dma_wait3A_71 : memref<80x128xf32, #tpu.memory_space<hbm>>)
    %add3A_75 = arith.constant 9840 : i32
    %add3A_76 = arith.addi %mul3A_2, %add3A_75 : i32
    %dma_wait3A_77 = arith.constant 0 : i32
    %dma_wait3A_78 = arith.constant 0 : i32
    %dma_wait3A_79 = tpu.memref_slice %arg11[%dma_wait3A_77, %dma_wait3A_78] : memref<240x256xf32, #tpu.memory_space<vmem>> -> memref<80x256xf32, #tpu.memory_space<vmem>>
    %dma_wait3A_80 = arith.constant 0 : i32
    %dma_wait3A_81 = tpu.memref_slice %arg7[%add3A_76, %dma_wait3A_80] : memref<320000x256xf32, #tpu.memory_space<hbm>> -> memref<80x256xf32, #tpu.memory_space<hbm>>
    %dma_wait3A_82 = arith.constant 0 : i32
    %dma_wait3A_83 = tpu.memref_slice %arg7[%add3A_76, %dma_wait3A_82] : memref<320000x256xf32, #tpu.memory_space<hbm>> -> memref<80x256xf32, #tpu.memory_space<hbm>>
    %dma_wait3A_84 = arith.constant 0 : i32
    %dma_wait3A_85 = arith.constant 0 : i32
    %dma_wait3A_86 = tpu.memref_slice %arg11[%dma_wait3A_84, %dma_wait3A_85] : memref<240x256xf32, #tpu.memory_space<vmem>> -> memref<80x256xf32, #tpu.memory_space<vmem>>
    tpu.wait_dma2 semaphore(%arg13 : memref<!tpu.dma_semaphore, #tpu.memory_space<semaphore_mem>>) src(%dma_wait3A_86 : memref<80x256xf32, #tpu.memory_space<vmem>>) dst(%dma_wait3A_83 : memref<80x256xf32, #tpu.memory_space<hbm>>)
    %add3A_87 = arith.constant 9920 : i32
    %add3A_88 = arith.addi %mul3A_2, %add3A_87 : i32
    %dma_wait3A_89 = arith.constant 80 : i32
    %dma_wait3A_90 = arith.constant 0 : i32
    %dma_wait3A_91 = tpu.memref_slice %arg10[%dma_wait3A_89, %dma_wait3A_90] : memref<240x128xf32, #tpu.memory_space<vmem>> -> memref<80x128xf32, #tpu.memory_space<vmem>>
    %dma_wait3A_92 = arith.constant 0 : i32
    %dma_wait3A_93 = tpu.memref_slice %arg6[%add3A_88, %dma_wait3A_92] : memref<320000x128xf32, #tpu.memory_space<hbm>> -> memref<80x128xf32, #tpu.memory_space<hbm>>
    %dma_wait3A_94 = arith.constant 0 : i32
    %dma_wait3A_95 = tpu.memref_slice %arg6[%add3A_88, %dma_wait3A_94] : memref<320000x128xf32, #tpu.memory_space<hbm>> -> memref<80x128xf32, #tpu.memory_space<hbm>>
    %dma_wait3A_96 = arith.constant 80 : i32
    %dma_wait3A_97 = arith.constant 0 : i32
    %dma_wait3A_98 = tpu.memref_slice %arg10[%dma_wait3A_96, %dma_wait3A_97] : memref<240x128xf32, #tpu.memory_space<vmem>> -> memref<80x128xf32, #tpu.memory_space<vmem>>
    tpu.wait_dma2 semaphore(%arg13 : memref<!tpu.dma_semaphore, #tpu.memory_space<semaphore_mem>>) src(%dma_wait3A_98 : memref<80x128xf32, #tpu.memory_space<vmem>>) dst(%dma_wait3A_95 : memref<80x128xf32, #tpu.memory_space<hbm>>)
    %add3A_99 = arith.constant 9920 : i32
    %add3A_100 = arith.addi %mul3A_2, %add3A_99 : i32
    %dma_wait3A_101 = arith.constant 80 : i32
    %dma_wait3A_102 = arith.constant 0 : i32
    %dma_wait3A_103 = tpu.memref_slice %arg11[%dma_wait3A_101, %dma_wait3A_102] : memref<240x256xf32, #tpu.memory_space<vmem>> -> memref<80x256xf32, #tpu.memory_space<vmem>>
    %dma_wait3A_104 = arith.constant 0 : i32
    %dma_wait3A_105 = tpu.memref_slice %arg7[%add3A_100, %dma_wait3A_104] : memref<320000x256xf32, #tpu.memory_space<hbm>> -> memref<80x256xf32, #tpu.memory_space<hbm>>
    %dma_wait3A_106 = arith.constant 0 : i32
    %dma_wait3A_107 = tpu.memref_slice %arg7[%add3A_100, %dma_wait3A_106] : memref<320000x256xf32, #tpu.memory_space<hbm>> -> memref<80x256xf32, #tpu.memory_space<hbm>>
    %dma_wait3A_108 = arith.constant 80 : i32
    %dma_wait3A_109 = arith.constant 0 : i32
    %dma_wait3A_110 = tpu.memref_slice %arg11[%dma_wait3A_108, %dma_wait3A_109] : memref<240x256xf32, #tpu.memory_space<vmem>> -> memref<80x256xf32, #tpu.memory_space<vmem>>
    tpu.wait_dma2 semaphore(%arg13 : memref<!tpu.dma_semaphore, #tpu.memory_space<semaphore_mem>>) src(%dma_wait3A_110 : memref<80x256xf32, #tpu.memory_space<vmem>>) dst(%dma_wait3A_107 : memref<80x256xf32, #tpu.memory_space<hbm>>)
    return
  }
}

module attributes {stable_mosaic.version = 14 : i64} {
  func.func @_node_pre_body(%arg0: i32, %arg1: memref<1000x128xf32, #tpu.memory_space<vmem>>, %arg2: memref<128x128xf32, #tpu.memory_space<vmem>>, %arg3: memref<128x256xf32, #tpu.memory_space<vmem>>, %arg4: memref<1x128xf32, #tpu.memory_space<vmem>>, %arg5: memref<1x256xf32, #tpu.memory_space<vmem>>, %arg6: memref<1x128xf32, #tpu.memory_space<vmem>>, %arg7: memref<1x128xf32, #tpu.memory_space<vmem>>, %arg8: memref<1000x128xf32, #tpu.memory_space<vmem>>, %arg9: memref<1000x128xf32, #tpu.memory_space<vmem>>, %arg10: memref<1000x256xf32, #tpu.memory_space<vmem>>) attributes {dimension_semantics = [#tpu.dimension_semantics<arbitrary>], iteration_bounds = array<i64: 10>, scalar_prefetch = 0 : i64, scratch_operands = 0 : i64, tpu.core_type = #tpu.core_type<tc>, window_params = [{transform_indices = @transform_0, window_bounds = array<i64: 1000, 128>}, {pipeline_mode = #tpu.pipeline_mode<synchronous>, transform_indices = @transform_1, window_bounds = array<i64: 128, 128>}, {pipeline_mode = #tpu.pipeline_mode<synchronous>, transform_indices = @transform_2, window_bounds = array<i64: 128, 256>}, {pipeline_mode = #tpu.pipeline_mode<synchronous>, transform_indices = @transform_3, window_bounds = array<i64: 1, 128>}, {pipeline_mode = #tpu.pipeline_mode<synchronous>, transform_indices = @transform_4, window_bounds = array<i64: 1, 256>}, {pipeline_mode = #tpu.pipeline_mode<synchronous>, transform_indices = @transform_5, window_bounds = array<i64: 1, 128>}, {pipeline_mode = #tpu.pipeline_mode<synchronous>, transform_indices = @transform_6, window_bounds = array<i64: 1, 128>}, {transform_indices = @transform_7, window_bounds = array<i64: 1000, 128>}, {transform_indices = @transform_8, window_bounds = array<i64: 1000, 128>}, {transform_indices = @transform_9, window_bounds = array<i64: 1000, 256>}]} {
    %get3A = arith.constant 0 : index
    %get3A_0 = arith.constant 0 : index
    %get3A_1 = vector.load %arg1[%get3A, %get3A_0] : memref<1000x128xf32, #tpu.memory_space<vmem>>, vector<1000x128xf32>
    %get3A_2 = arith.constant 0 : index
    %get3A_3 = arith.constant 0 : index
    %get3A_4 = vector.load %arg6[%get3A_2, %get3A_3] : memref<1x128xf32, #tpu.memory_space<vmem>>, vector<1x128xf32>
    %get3A_5 = arith.constant 0 : index
    %get3A_6 = arith.constant 0 : index
    %get3A_7 = vector.load %arg7[%get3A_5, %get3A_6] : memref<1x128xf32, #tpu.memory_space<vmem>>, vector<1x128xf32>
    %reduce_sum3A = arith.constant dense<0.000000e+00> : vector<1000xf32>
    %reduce_sum3A_8 = vector.multi_reduction <add>, %get3A_1, %reduce_sum3A [1] : vector<1000x128xf32> to vector<1000xf32>
    %broadcast_in_dim3A = vector.shape_cast %reduce_sum3A_8 : vector<1000xf32> to vector<1000x1xf32>
    %div3A = arith.constant 1.280000e+02 : f32
    %div3A_9 = vector.broadcast %div3A : f32 to vector<1000x1xf32>
    %div3A_10 = arith.divf %broadcast_in_dim3A, %div3A_9 : vector<1000x1xf32>
    %sub3A = vector.broadcast %div3A_10 : vector<1000x1xf32> to vector<1000x128xf32>
    %sub3A_11 = arith.subf %get3A_1, %sub3A : vector<1000x128xf32>
    %integer_pow3A = arith.mulf %sub3A_11, %sub3A_11 : vector<1000x128xf32>
    %reduce_sum3A_12 = arith.constant dense<0.000000e+00> : vector<1000xf32>
    %reduce_sum3A_13 = vector.multi_reduction <add>, %integer_pow3A, %reduce_sum3A_12 [1] : vector<1000x128xf32> to vector<1000xf32>
    %broadcast_in_dim3A_14 = vector.shape_cast %reduce_sum3A_13 : vector<1000xf32> to vector<1000x1xf32>
    %div3A_15 = arith.constant 1.280000e+02 : f32
    %div3A_16 = vector.broadcast %div3A_15 : f32 to vector<1000x1xf32>
    %div3A_17 = arith.divf %broadcast_in_dim3A_14, %div3A_16 : vector<1000x1xf32>
    %sub3A_18 = vector.broadcast %div3A_10 : vector<1000x1xf32> to vector<1000x128xf32>
    %sub3A_19 = arith.subf %get3A_1, %sub3A_18 : vector<1000x128xf32>
    %add3A = arith.constant 9.99999974E-6 : f32
    %add3A_20 = vector.broadcast %add3A : f32 to vector<1000x1xf32>
    %add3A_21 = arith.addf %div3A_17, %add3A_20 : vector<1000x1xf32>
    %sqrt3A = math.sqrt %add3A_21 : vector<1000x1xf32>
    %div3A_22 = vector.broadcast %sqrt3A : vector<1000x1xf32> to vector<1000x128xf32>
    %div3A_23 = arith.divf %sub3A_19, %div3A_22 : vector<1000x128xf32>
    %mul3A = vector.broadcast %get3A_4 : vector<1x128xf32> to vector<1000x128xf32>
    %mul3A_24 = arith.mulf %div3A_23, %mul3A : vector<1000x128xf32>
    %add3A_25 = vector.broadcast %get3A_7 : vector<1x128xf32> to vector<1000x128xf32>
    %add3A_26 = arith.addf %mul3A_24, %add3A_25 : vector<1000x128xf32>
    %swap3A = arith.constant 0 : index
    %swap3A_27 = arith.constant 0 : index
    %swap3A_28 = vector.load %arg8[%swap3A, %swap3A_27] : memref<1000x128xf32, #tpu.memory_space<vmem>>, vector<1000x128xf32>
    tpu.vector_store %arg8[%swap3A, %swap3A_27], %add3A_26 {strides = array<i32>} : memref<1000x128xf32, #tpu.memory_space<vmem>>, vector<1000x128xf32>,
    %get3A_29 = arith.constant 0 : index
    %get3A_30 = arith.constant 0 : index
    %get3A_31 = vector.load %arg2[%get3A_29, %get3A_30] : memref<128x128xf32, #tpu.memory_space<vmem>>, vector<128x128xf32>
    %dot_general3A = arith.constant dense<0.000000e+00> : vector<1000x128xf32>
    %dot_general3A_32 = tpu.matmul %add3A_26, %get3A_31, %dot_general3A {dimension_numbers = #tpu.dot_dimension_numbers<[1], [0], [0], [1], [0, 0, 1, 1], [], []>, transpose_lhs_hint = false} : vector<1000x128xf32>, vector<128x128xf32>, vector<1000x128xf32> -> vector<1000x128xf32>
    %get3A_33 = arith.constant 0 : index
    %get3A_34 = arith.constant 0 : index
    %get3A_35 = vector.load %arg4[%get3A_33, %get3A_34] : memref<1x128xf32, #tpu.memory_space<vmem>>, vector<1x128xf32>
    %add3A_36 = vector.broadcast %get3A_35 : vector<1x128xf32> to vector<1000x128xf32>
    %add3A_37 = arith.addf %dot_general3A_32, %add3A_36 : vector<1000x128xf32>
    %swap3A_38 = arith.constant 0 : index
    %swap3A_39 = arith.constant 0 : index
    %swap3A_40 = vector.load %arg9[%swap3A_38, %swap3A_39] : memref<1000x128xf32, #tpu.memory_space<vmem>>, vector<1000x128xf32>
    tpu.vector_store %arg9[%swap3A_38, %swap3A_39], %add3A_37 {strides = array<i32>} : memref<1000x128xf32, #tpu.memory_space<vmem>>, vector<1000x128xf32>,
    %get3A_41 = arith.constant 0 : index
    %get3A_42 = arith.constant 0 : index
    %get3A_43 = vector.load %arg3[%get3A_41, %get3A_42] : memref<128x256xf32, #tpu.memory_space<vmem>>, vector<128x256xf32>
    %dot_general3A_44 = arith.constant dense<0.000000e+00> : vector<1000x256xf32>
    %dot_general3A_45 = tpu.matmul %add3A_26, %get3A_43, %dot_general3A_44 {dimension_numbers = #tpu.dot_dimension_numbers<[1], [0], [0], [1], [0, 0, 1, 1], [], []>, transpose_lhs_hint = false} : vector<1000x128xf32>, vector<128x256xf32>, vector<1000x256xf32> -> vector<1000x256xf32>
    %get3A_46 = arith.constant 0 : index
    %get3A_47 = arith.constant 0 : index
    %get3A_48 = vector.load %arg5[%get3A_46, %get3A_47] : memref<1x256xf32, #tpu.memory_space<vmem>>, vector<1x256xf32>
    %add3A_49 = vector.broadcast %get3A_48 : vector<1x256xf32> to vector<1000x256xf32>
    %add3A_50 = arith.addf %dot_general3A_45, %add3A_49 : vector<1000x256xf32>
    %swap3A_51 = arith.constant 0 : index
    %swap3A_52 = arith.constant 0 : index
    %swap3A_53 = vector.load %arg10[%swap3A_51, %swap3A_52] : memref<1000x256xf32, #tpu.memory_space<vmem>>, vector<1000x256xf32>
    tpu.vector_store %arg10[%swap3A_51, %swap3A_52], %add3A_50 {strides = array<i32>} : memref<1000x256xf32, #tpu.memory_space<vmem>>, vector<1000x256xf32>,
    return
  }
  func.func @transform_0(%arg0: i32) -> (i32, i32) {
    %c0_i32 = arith.constant 0 : i32
    %c0_i32_0 = arith.constant 0 : i32
    return %arg0, %c0_i32 : i32, i32
  }
  func.func @transform_1(%arg0: i32) -> (i32, i32) {
    %c0_i32 = arith.constant 0 : i32
    %c0_i32_0 = arith.constant 0 : i32
    %c0_i32_1 = arith.constant 0 : i32
    return %c0_i32, %c0_i32_0 : i32, i32
  }
  func.func @transform_2(%arg0: i32) -> (i32, i32) {
    %c0_i32 = arith.constant 0 : i32
    %c0_i32_0 = arith.constant 0 : i32
    %c0_i32_1 = arith.constant 0 : i32
    return %c0_i32, %c0_i32_0 : i32, i32
  }
  func.func @transform_3(%arg0: i32) -> (i32, i32) {
    %c0_i32 = arith.constant 0 : i32
    %c0_i32_0 = arith.constant 0 : i32
    %c0_i32_1 = arith.constant 0 : i32
    return %c0_i32, %c0_i32_0 : i32, i32
  }
  func.func @transform_4(%arg0: i32) -> (i32, i32) {
    %c0_i32 = arith.constant 0 : i32
    %c0_i32_0 = arith.constant 0 : i32
    %c0_i32_1 = arith.constant 0 : i32
    return %c0_i32, %c0_i32_0 : i32, i32
  }
  func.func @transform_5(%arg0: i32) -> (i32, i32) {
    %c0_i32 = arith.constant 0 : i32
    %c0_i32_0 = arith.constant 0 : i32
    %c0_i32_1 = arith.constant 0 : i32
    return %c0_i32, %c0_i32_0 : i32, i32
  }
  func.func @transform_6(%arg0: i32) -> (i32, i32) {
    %c0_i32 = arith.constant 0 : i32
    %c0_i32_0 = arith.constant 0 : i32
    %c0_i32_1 = arith.constant 0 : i32
    return %c0_i32, %c0_i32_0 : i32, i32
  }
  func.func @transform_7(%arg0: i32) -> (i32, i32) {
    %c0_i32 = arith.constant 0 : i32
    %c0_i32_0 = arith.constant 0 : i32
    return %arg0, %c0_i32 : i32, i32
  }
  func.func @transform_8(%arg0: i32) -> (i32, i32) {
    %c0_i32 = arith.constant 0 : i32
    %c0_i32_0 = arith.constant 0 : i32
    return %arg0, %c0_i32 : i32, i32
  }
  func.func @transform_9(%arg0: i32) -> (i32, i32) {
    %c0_i32 = arith.constant 0 : i32
    %c0_i32_0 = arith.constant 0 : i32
    return %arg0, %c0_i32 : i32, i32
  }
}

module attributes {stable_mosaic.version = 14 : i64} {
  func.func @body(%arg0: i32, %arg1: memref<2x320000xi32, #tpu.memory_space<vmem>>, %arg2: memref<320000xi32, #tpu.memory_space<vmem>>, %arg3: memref<320000xi32, #tpu.memory_space<vmem>>) attributes {dimension_semantics = [#tpu.dimension_semantics<arbitrary>], iteration_bounds = array<i64: 1>, scalar_prefetch = 0 : i64, scratch_operands = 0 : i64, tpu.core_type = #tpu.core_type<tc>, window_params = [{transform_indices = @transform_0, window_bounds = array<i64: 2, 320000>}, {transform_indices = @transform_1, window_bounds = array<i64: 320000>}, {transform_indices = @transform_2, window_bounds = array<i64: 320000>}]} {
    %get3A = arith.constant 0 : index
    %get3A_0 = arith.constant 0 : index
    %get3A_1 = vector.load %arg1[%get3A, %get3A_0] : memref<2x320000xi32, #tpu.memory_space<vmem>>, vector<1x320000xi32>
    %get3A_2 = vector.shape_cast %get3A_1 : vector<1x320000xi32> to vector<320000xi32>
    %swap3A = arith.constant 0 : index
    %swap3A_3 = vector.load %arg2[%swap3A] : memref<320000xi32, #tpu.memory_space<vmem>>, vector<320000xi32>
    tpu.vector_store %arg2[%swap3A], %get3A_2 {strides = array<i32>} : memref<320000xi32, #tpu.memory_space<vmem>>, vector<320000xi32>,
    %get3A_4 = arith.constant 1 : index
    %get3A_5 = arith.constant 0 : index
    %get3A_6 = vector.load %arg1[%get3A_4, %get3A_5] : memref<2x320000xi32, #tpu.memory_space<vmem>>, vector<1x320000xi32>
    %get3A_7 = vector.shape_cast %get3A_6 : vector<1x320000xi32> to vector<320000xi32>
    %swap3A_8 = arith.constant 0 : index
    %swap3A_9 = vector.load %arg3[%swap3A_8] : memref<320000xi32, #tpu.memory_space<vmem>>, vector<320000xi32>
    tpu.vector_store %arg3[%swap3A_8], %get3A_7 {strides = array<i32>} : memref<320000xi32, #tpu.memory_space<vmem>>, vector<320000xi32>,
    return
  }
  func.func @transform_0(%arg0: i32) -> (i32, i32) {
    %c0_i32 = arith.constant 0 : i32
    %c0_i32_0 = arith.constant 0 : i32
    return %c0_i32, %arg0 : i32, i32
  }
  func.func @transform_1(%arg0: i32) -> i32 {
    %c0_i32 = arith.constant 0 : i32
    return %arg0 : i32
  }
  func.func @transform_2(%arg0: i32) -> i32 {
    %c0_i32 = arith.constant 0 : i32
    return %arg0 : i32
  }
}

module attributes {stable_mosaic.version = 14 : i64} {
  func.func @_edge_body(%arg0: i32, %arg1: memref<4000x128xf32, #tpu.memory_space<vmem>>, %arg2: memref<4000x256xf32, #tpu.memory_space<vmem>>, %arg3: memref<4000x128xf32, #tpu.memory_space<vmem>>, %arg4: memref<128x256xf32, #tpu.memory_space<vmem>>, %arg5: memref<1x256xf32, #tpu.memory_space<vmem>>, %arg6: memref<128x8xf32, #tpu.memory_space<vmem>>, %arg7: memref<8x128xf32, #tpu.memory_space<vmem>>, %arg8: memref<4000x128xf32, #tpu.memory_space<vmem>>, %arg9: memref<4000x8xf32, #tpu.memory_space<vmem>>) attributes {dimension_semantics = [#tpu.dimension_semantics<arbitrary>], iteration_bounds = array<i64: 80>, scalar_prefetch = 0 : i64, scratch_operands = 0 : i64, tpu.core_type = #tpu.core_type<tc>, window_params = [{transform_indices = @transform_0, window_bounds = array<i64: 4000, 128>}, {transform_indices = @transform_1, window_bounds = array<i64: 4000, 256>}, {transform_indices = @transform_2, window_bounds = array<i64: 4000, 128>}, {pipeline_mode = #tpu.pipeline_mode<synchronous>, transform_indices = @transform_3, window_bounds = array<i64: 128, 256>}, {pipeline_mode = #tpu.pipeline_mode<synchronous>, transform_indices = @transform_4, window_bounds = array<i64: 1, 256>}, {pipeline_mode = #tpu.pipeline_mode<synchronous>, transform_indices = @transform_5, window_bounds = array<i64: 128, 8>}, {pipeline_mode = #tpu.pipeline_mode<synchronous>, transform_indices = @transform_6, window_bounds = array<i64: 8, 128>}, {transform_indices = @transform_7, window_bounds = array<i64: 4000, 128>}, {transform_indices = @transform_8, window_bounds = array<i64: 4000, 8>}]} {
    %get3A = arith.constant 0 : index
    %get3A_0 = arith.constant 0 : index
    %get3A_1 = vector.load %arg3[%get3A, %get3A_0] : memref<4000x128xf32, #tpu.memory_space<vmem>>, vector<4000x128xf32>
    %get3A_2 = arith.constant 0 : index
    %get3A_3 = arith.constant 0 : index
    %get3A_4 = vector.load %arg4[%get3A_2, %get3A_3] : memref<128x256xf32, #tpu.memory_space<vmem>>, vector<128x256xf32>
    %dot_general3A = arith.constant dense<0.000000e+00> : vector<4000x256xf32>
    %dot_general3A_5 = tpu.matmul %get3A_1, %get3A_4, %dot_general3A {dimension_numbers = #tpu.dot_dimension_numbers<[1], [0], [0], [1], [0, 0, 1, 1], [], []>, transpose_lhs_hint = false} : vector<4000x128xf32>, vector<128x256xf32>, vector<4000x256xf32> -> vector<4000x256xf32>
    %get3A_6 = arith.constant 0 : index
    %get3A_7 = arith.constant 0 : index
    %get3A_8 = vector.load %arg5[%get3A_6, %get3A_7] : memref<1x256xf32, #tpu.memory_space<vmem>>, vector<1x256xf32>
    %add3A = vector.broadcast %get3A_8 : vector<1x256xf32> to vector<4000x256xf32>
    %add3A_9 = arith.addf %dot_general3A_5, %add3A : vector<4000x256xf32>
    %slice3A = vector.extract_strided_slice %add3A_9 {offsets = [0, 0], sizes = [4000, 128], strides = [1, 1]} : vector<4000x256xf32> to vector<4000x128xf32>
    %slice3A_10 = vector.extract_strided_slice %add3A_9 {offsets = [0, 128], sizes = [4000, 128], strides = [1, 1]} : vector<4000x256xf32> to vector<4000x128xf32>
    %get3A_11 = arith.constant 0 : index
    %get3A_12 = arith.constant 0 : index
    %get3A_13 = vector.load %arg2[%get3A_11, %get3A_12] : memref<4000x256xf32, #tpu.memory_space<vmem>>, vector<4000x256xf32>
    %slice3A_14 = vector.extract_strided_slice %get3A_13 {offsets = [0, 0], sizes = [4000, 128], strides = [1, 1]} : vector<4000x256xf32> to vector<4000x128xf32>
    %slice3A_15 = vector.extract_strided_slice %get3A_13 {offsets = [0, 128], sizes = [4000, 128], strides = [1, 1]} : vector<4000x256xf32> to vector<4000x128xf32>
    %get3A_16 = arith.constant 0 : index
    %get3A_17 = arith.constant 0 : index
    %get3A_18 = vector.load %arg1[%get3A_16, %get3A_17] : memref<4000x128xf32, #tpu.memory_space<vmem>>, vector<4000x128xf32>
    %add3A_19 = arith.addf %slice3A_14, %slice3A : vector<4000x128xf32>
    %mul3A = arith.mulf %get3A_18, %add3A_19 : vector<4000x128xf32>
    %get3A_20 = arith.constant 0 : index
    %get3A_21 = arith.constant 0 : index
    %get3A_22 = vector.load %arg6[%get3A_20, %get3A_21] : memref<128x8xf32, #tpu.memory_space<vmem>>, vector<128x8xf32>
    %dot_general3A_23 = arith.constant dense<0.000000e+00> : vector<4000x8xf32>
    %dot_general3A_24 = tpu.matmul %mul3A, %get3A_22, %dot_general3A_23 {dimension_numbers = #tpu.dot_dimension_numbers<[1], [0], [0], [1], [0, 0, 1, 1], [], []>, transpose_lhs_hint = false} : vector<4000x128xf32>, vector<128x8xf32>, vector<4000x8xf32> -> vector<4000x8xf32>
    %exp3A = math.exp %dot_general3A_24 : vector<4000x8xf32>
    %get3A_25 = arith.constant 0 : index
    %get3A_26 = arith.constant 0 : index
    %get3A_27 = vector.load %arg7[%get3A_25, %get3A_26] : memref<8x128xf32, #tpu.memory_space<vmem>>, vector<8x128xf32>
    %dot_general3A_28 = arith.constant dense<0.000000e+00> : vector<4000x128xf32>
    %dot_general3A_29 = tpu.matmul %exp3A, %get3A_27, %dot_general3A_28 {dimension_numbers = #tpu.dot_dimension_numbers<[1], [0], [0], [1], [0, 0, 1, 1], [], []>, transpose_lhs_hint = false} : vector<4000x8xf32>, vector<8x128xf32>, vector<4000x128xf32> -> vector<4000x128xf32>
    %add3A_30 = arith.addf %slice3A_15, %slice3A_10 : vector<4000x128xf32>
    %mul3A_31 = arith.mulf %add3A_30, %dot_general3A_29 : vector<4000x128xf32>
    %swap3A = arith.constant 0 : index
    %swap3A_32 = arith.constant 0 : index
    %swap3A_33 = vector.load %arg8[%swap3A, %swap3A_32] : memref<4000x128xf32, #tpu.memory_space<vmem>>, vector<4000x128xf32>
    tpu.vector_store %arg8[%swap3A, %swap3A_32], %mul3A_31 {strides = array<i32>} : memref<4000x128xf32, #tpu.memory_space<vmem>>, vector<4000x128xf32>,
    %swap3A_34 = arith.constant 0 : index
    %swap3A_35 = arith.constant 0 : index
    %swap3A_36 = vector.load %arg9[%swap3A_34, %swap3A_35] : memref<4000x8xf32, #tpu.memory_space<vmem>>, vector<4000x8xf32>
    tpu.vector_store %arg9[%swap3A_34, %swap3A_35], %exp3A {strides = array<i32>} : memref<4000x8xf32, #tpu.memory_space<vmem>>, vector<4000x8xf32>,
    return
  }
  func.func @transform_0(%arg0: i32) -> (i32, i32) {
    %c0_i32 = arith.constant 0 : i32
    %c0_i32_0 = arith.constant 0 : i32
    return %arg0, %c0_i32 : i32, i32
  }
  func.func @transform_1(%arg0: i32) -> (i32, i32) {
    %c0_i32 = arith.constant 0 : i32
    %c0_i32_0 = arith.constant 0 : i32
    return %arg0, %c0_i32 : i32, i32
  }
  func.func @transform_2(%arg0: i32) -> (i32, i32) {
    %c0_i32 = arith.constant 0 : i32
    %c0_i32_0 = arith.constant 0 : i32
    return %arg0, %c0_i32 : i32, i32
  }
  func.func @transform_3(%arg0: i32) -> (i32, i32) {
    %c0_i32 = arith.constant 0 : i32
    %c0_i32_0 = arith.constant 0 : i32
    %c0_i32_1 = arith.constant 0 : i32
    return %c0_i32, %c0_i32_0 : i32, i32
  }
  func.func @transform_4(%arg0: i32) -> (i32, i32) {
    %c0_i32 = arith.constant 0 : i32
    %c0_i32_0 = arith.constant 0 : i32
    %c0_i32_1 = arith.constant 0 : i32
    return %c0_i32, %c0_i32_0 : i32, i32
  }
  func.func @transform_5(%arg0: i32) -> (i32, i32) {
    %c0_i32 = arith.constant 0 : i32
    %c0_i32_0 = arith.constant 0 : i32
    %c0_i32_1 = arith.constant 0 : i32
    return %c0_i32, %c0_i32_0 : i32, i32
  }
  func.func @transform_6(%arg0: i32) -> (i32, i32) {
    %c0_i32 = arith.constant 0 : i32
    %c0_i32_0 = arith.constant 0 : i32
    %c0_i32_1 = arith.constant 0 : i32
    return %c0_i32, %c0_i32_0 : i32, i32
  }
  func.func @transform_7(%arg0: i32) -> (i32, i32) {
    %c0_i32 = arith.constant 0 : i32
    %c0_i32_0 = arith.constant 0 : i32
    return %arg0, %c0_i32 : i32, i32
  }
  func.func @transform_8(%arg0: i32) -> (i32, i32) {
    %c0_i32 = arith.constant 0 : i32
    %c0_i32_0 = arith.constant 0 : i32
    return %arg0, %c0_i32 : i32, i32
  }
}

module attributes {stable_mosaic.version = 14 : i64} {
  func.func @_node_post_body(%arg0: i32, %arg1: memref<2x1000x128xf32, #tpu.memory_space<vmem>>, %arg2: memref<2x1000x8xf32, #tpu.memory_space<vmem>>, %arg3: memref<1000x128xf32, #tpu.memory_space<vmem>>, %arg4: memref<1000x128xf32, #tpu.memory_space<vmem>>, %arg5: memref<8x128xf32, #tpu.memory_space<vmem>>, %arg6: memref<128x128xf32, #tpu.memory_space<vmem>>, %arg7: memref<128x128xf32, #tpu.memory_space<vmem>>, %arg8: memref<128x128xf32, #tpu.memory_space<vmem>>, %arg9: memref<128x128xf32, #tpu.memory_space<vmem>>, %arg10: memref<1x512xf32, #tpu.memory_space<vmem>>, %arg11: memref<1x128xf32, #tpu.memory_space<vmem>>, %arg12: memref<1x128xf32, #tpu.memory_space<vmem>>, %arg13: memref<128x512xf32, #tpu.memory_space<vmem>>, %arg14: memref<1x512xf32, #tpu.memory_space<vmem>>, %arg15: memref<512x128xf32, #tpu.memory_space<vmem>>, %arg16: memref<1x128xf32, #tpu.memory_space<vmem>>, %arg17: memref<1000x128xf32, #tpu.memory_space<vmem>>) attributes {dimension_semantics = [#tpu.dimension_semantics<arbitrary>], iteration_bounds = array<i64: 10>, scalar_prefetch = 0 : i64, scratch_operands = 0 : i64, tpu.core_type = #tpu.core_type<tc>, window_params = [{transform_indices = @transform_0, window_bounds = array<i64: 2, 1000, 128>}, {transform_indices = @transform_1, window_bounds = array<i64: 2, 1000, 8>}, {transform_indices = @transform_2, window_bounds = array<i64: 1000, 128>}, {transform_indices = @transform_3, window_bounds = array<i64: 1000, 128>}, {pipeline_mode = #tpu.pipeline_mode<synchronous>, transform_indices = @transform_4, window_bounds = array<i64: 8, 128>}, {pipeline_mode = #tpu.pipeline_mode<synchronous>, transform_indices = @transform_5, window_bounds = array<i64: 128, 128>}, {pipeline_mode = #tpu.pipeline_mode<synchronous>, transform_indices = @transform_6, window_bounds = array<i64: 128, 128>}, {pipeline_mode = #tpu.pipeline_mode<synchronous>, transform_indices = @transform_7, window_bounds = array<i64: 128, 128>}, {pipeline_mode = #tpu.pipeline_mode<synchronous>, transform_indices = @transform_8, window_bounds = array<i64: 128, 128>}, {pipeline_mode = #tpu.pipeline_mode<synchronous>, transform_indices = @transform_9, window_bounds = array<i64: 1, 512>}, {pipeline_mode = #tpu.pipeline_mode<synchronous>, transform_indices = @transform_10, window_bounds = array<i64: 1, 128>}, {pipeline_mode = #tpu.pipeline_mode<synchronous>, transform_indices = @transform_11, window_bounds = array<i64: 1, 128>}, {pipeline_mode = #tpu.pipeline_mode<synchronous>, transform_indices = @transform_12, window_bounds = array<i64: 128, 512>}, {pipeline_mode = #tpu.pipeline_mode<synchronous>, transform_indices = @transform_13, window_bounds = array<i64: 1, 512>}, {pipeline_mode = #tpu.pipeline_mode<synchronous>, transform_indices = @transform_14, window_bounds = array<i64: 512, 128>}, {pipeline_mode = #tpu.pipeline_mode<synchronous>, transform_indices = @transform_15, window_bounds = array<i64: 1, 128>}, {transform_indices = @transform_16, window_bounds = array<i64: 1000, 128>}]} {
    %get3A = arith.constant 0 : index
    %get3A_0 = arith.constant 0 : index
    %get3A_1 = arith.constant 0 : index
    %get3A_2 = vector.load %arg1[%get3A, %get3A_0, %get3A_1] : memref<2x1000x128xf32, #tpu.memory_space<vmem>>, vector<2x1000x128xf32>
    %reduce_sum3A = arith.constant dense<0.000000e+00> : vector<1000x128xf32>
    %reduce_sum3A_3 = vector.multi_reduction <add>, %get3A_2, %reduce_sum3A [0] : vector<2x1000x128xf32> to vector<1000x128xf32>
    %get3A_4 = arith.constant 0 : index
    %get3A_5 = arith.constant 0 : index
    %get3A_6 = arith.constant 0 : index
    %get3A_7 = vector.load %arg2[%get3A_4, %get3A_5, %get3A_6] : memref<2x1000x8xf32, #tpu.memory_space<vmem>>, vector<2x1000x8xf32>
    %reduce_sum3A_8 = arith.constant dense<0.000000e+00> : vector<1000x8xf32>
    %reduce_sum3A_9 = vector.multi_reduction <add>, %get3A_7, %reduce_sum3A_8 [0] : vector<2x1000x8xf32> to vector<1000x8xf32>
    %get3A_10 = arith.constant 0 : index
    %get3A_11 = arith.constant 0 : index
    %get3A_12 = vector.load %arg5[%get3A_10, %get3A_11] : memref<8x128xf32, #tpu.memory_space<vmem>>, vector<8x128xf32>
    %dot_general3A = arith.constant dense<0.000000e+00> : vector<1000x128xf32>
    %dot_general3A_13 = tpu.matmul %reduce_sum3A_9, %get3A_12, %dot_general3A {dimension_numbers = #tpu.dot_dimension_numbers<[1], [0], [0], [1], [0, 0, 1, 1], [], []>, transpose_lhs_hint = false} : vector<1000x8xf32>, vector<8x128xf32>, vector<1000x128xf32> -> vector<1000x128xf32>
    %add3A = arith.constant 1.000000e-16 : f32
    %add3A_14 = vector.broadcast %add3A : f32 to vector<1000x128xf32>
    %add3A_15 = arith.addf %dot_general3A_13, %add3A_14 : vector<1000x128xf32>
    %div3A = arith.divf %reduce_sum3A_3, %add3A_15 : vector<1000x128xf32>
    %get3A_16 = arith.constant 0 : index
    %get3A_17 = arith.constant 0 : index
    %get3A_18 = vector.load %arg4[%get3A_16, %get3A_17] : memref<1000x128xf32, #tpu.memory_space<vmem>>, vector<1000x128xf32>
    %get3A_19 = arith.constant 0 : index
    %get3A_20 = arith.constant 0 : index
    %get3A_21 = vector.load %arg10[%get3A_19, %get3A_20] : memref<1x512xf32, #tpu.memory_space<vmem>>, vector<1x512xf32>
    %get3A_22 = arith.constant 0 : index
    %get3A_23 = arith.constant 0 : index
    %get3A_24 = vector.load %arg6[%get3A_22, %get3A_23] : memref<128x128xf32, #tpu.memory_space<vmem>>, vector<128x128xf32>
    %dot_general3A_25 = arith.constant dense<0.000000e+00> : vector<1000x128xf32>
    %dot_general3A_26 = tpu.matmul %div3A, %get3A_24, %dot_general3A_25 {dimension_numbers = #tpu.dot_dimension_numbers<[1], [0], [0], [1], [0, 0, 1, 1], [], []>, transpose_lhs_hint = false} : vector<1000x128xf32>, vector<128x128xf32>, vector<1000x128xf32> -> vector<1000x128xf32>
    %get3A_27 = arith.constant 0 : index
    %get3A_28 = arith.constant 0 : index
    %get3A_29 = vector.load %arg7[%get3A_27, %get3A_28] : memref<128x128xf32, #tpu.memory_space<vmem>>, vector<128x128xf32>
    %dot_general3A_30 = arith.constant dense<0.000000e+00> : vector<1000x128xf32>
    %dot_general3A_31 = tpu.matmul %get3A_18, %get3A_29, %dot_general3A_30 {dimension_numbers = #tpu.dot_dimension_numbers<[1], [0], [0], [1], [0, 0, 1, 1], [], []>, transpose_lhs_hint = false} : vector<1000x128xf32>, vector<128x128xf32>, vector<1000x128xf32> -> vector<1000x128xf32>
    %add3A_32 = arith.addf %dot_general3A_26, %dot_general3A_31 : vector<1000x128xf32>
    %slice3A = vector.extract_strided_slice %get3A_21 {offsets = [0, 0], sizes = [1, 128], strides = [1, 1]} : vector<1x512xf32> to vector<1x128xf32>
    %add3A_33 = vector.broadcast %slice3A : vector<1x128xf32> to vector<1000x128xf32>
    %add3A_34 = arith.addf %add3A_32, %add3A_33 : vector<1000x128xf32>
    %slice3A_35 = vector.extract_strided_slice %get3A_21 {offsets = [0, 128], sizes = [1, 128], strides = [1, 1]} : vector<1x512xf32> to vector<1x128xf32>
    %add3A_36 = vector.broadcast %slice3A_35 : vector<1x128xf32> to vector<1000x128xf32>
    %add3A_37 = arith.addf %add3A_34, %add3A_36 : vector<1000x128xf32>
    %logistic3A = arith.negf %add3A_37 : vector<1000x128xf32>
    %logistic3A_38 = math.exp %logistic3A : vector<1000x128xf32>
    %logistic3A_39 = arith.constant 1.000000e+00 : f32
    %logistic3A_40 = vector.broadcast %logistic3A_39 : f32 to vector<1000x128xf32>
    %logistic3A_41 = arith.addf %logistic3A_40, %logistic3A_38 : vector<1000x128xf32>
    %logistic3A_42 = arith.divf %logistic3A_40, %logistic3A_41 : vector<1000x128xf32>
    %get3A_43 = arith.constant 0 : index
    %get3A_44 = arith.constant 0 : index
    %get3A_45 = vector.load %arg8[%get3A_43, %get3A_44] : memref<128x128xf32, #tpu.memory_space<vmem>>, vector<128x128xf32>
    %dot_general3A_46 = arith.constant dense<0.000000e+00> : vector<1000x128xf32>
    %dot_general3A_47 = tpu.matmul %get3A_18, %get3A_45, %dot_general3A_46 {dimension_numbers = #tpu.dot_dimension_numbers<[1], [0], [0], [1], [0, 0, 1, 1], [], []>, transpose_lhs_hint = false} : vector<1000x128xf32>, vector<128x128xf32>, vector<1000x128xf32> -> vector<1000x128xf32>
    %slice3A_48 = vector.extract_strided_slice %get3A_21 {offsets = [0, 256], sizes = [1, 128], strides = [1, 1]} : vector<1x512xf32> to vector<1x128xf32>
    %add3A_49 = vector.broadcast %slice3A_48 : vector<1x128xf32> to vector<1000x128xf32>
    %add3A_50 = arith.addf %dot_general3A_47, %add3A_49 : vector<1000x128xf32>
    %sub3A = arith.subf %add3A_50, %div3A : vector<1000x128xf32>
    %mul3A = arith.mulf %logistic3A_42, %sub3A : vector<1000x128xf32>
    %add3A_51 = arith.addf %div3A, %mul3A : vector<1000x128xf32>
    %get3A_52 = arith.constant 0 : index
    %get3A_53 = arith.constant 0 : index
    %get3A_54 = vector.load %arg3[%get3A_52, %get3A_53] : memref<1000x128xf32, #tpu.memory_space<vmem>>, vector<1000x128xf32>
    %get3A_55 = arith.constant 0 : index
    %get3A_56 = arith.constant 0 : index
    %get3A_57 = vector.load %arg9[%get3A_55, %get3A_56] : memref<128x128xf32, #tpu.memory_space<vmem>>, vector<128x128xf32>
    %dot_general3A_58 = arith.constant dense<0.000000e+00> : vector<1000x128xf32>
    %dot_general3A_59 = tpu.matmul %add3A_51, %get3A_57, %dot_general3A_58 {dimension_numbers = #tpu.dot_dimension_numbers<[1], [0], [0], [1], [0, 0, 1, 1], [], []>, transpose_lhs_hint = false} : vector<1000x128xf32>, vector<128x128xf32>, vector<1000x128xf32> -> vector<1000x128xf32>
    %add3A_60 = arith.addf %get3A_54, %dot_general3A_59 : vector<1000x128xf32>
    %slice3A_61 = vector.extract_strided_slice %get3A_21 {offsets = [0, 384], sizes = [1, 128], strides = [1, 1]} : vector<1x512xf32> to vector<1x128xf32>
    %add3A_62 = vector.broadcast %slice3A_61 : vector<1x128xf32> to vector<1000x128xf32>
    %add3A_63 = arith.addf %add3A_60, %add3A_62 : vector<1000x128xf32>
    %get3A_64 = arith.constant 0 : index
    %get3A_65 = arith.constant 0 : index
    %get3A_66 = vector.load %arg11[%get3A_64, %get3A_65] : memref<1x128xf32, #tpu.memory_space<vmem>>, vector<1x128xf32>
    %get3A_67 = arith.constant 0 : index
    %get3A_68 = arith.constant 0 : index
    %get3A_69 = vector.load %arg12[%get3A_67, %get3A_68] : memref<1x128xf32, #tpu.memory_space<vmem>>, vector<1x128xf32>
    %reduce_sum3A_70 = arith.constant dense<0.000000e+00> : vector<1000xf32>
    %reduce_sum3A_71 = vector.multi_reduction <add>, %add3A_63, %reduce_sum3A_70 [1] : vector<1000x128xf32> to vector<1000xf32>
    %broadcast_in_dim3A = vector.shape_cast %reduce_sum3A_71 : vector<1000xf32> to vector<1000x1xf32>
    %div3A_72 = arith.constant 1.280000e+02 : f32
    %div3A_73 = vector.broadcast %div3A_72 : f32 to vector<1000x1xf32>
    %div3A_74 = arith.divf %broadcast_in_dim3A, %div3A_73 : vector<1000x1xf32>
    %sub3A_75 = vector.broadcast %div3A_74 : vector<1000x1xf32> to vector<1000x128xf32>
    %sub3A_76 = arith.subf %add3A_63, %sub3A_75 : vector<1000x128xf32>
    %integer_pow3A = arith.mulf %sub3A_76, %sub3A_76 : vector<1000x128xf32>
    %reduce_sum3A_77 = arith.constant dense<0.000000e+00> : vector<1000xf32>
    %reduce_sum3A_78 = vector.multi_reduction <add>, %integer_pow3A, %reduce_sum3A_77 [1] : vector<1000x128xf32> to vector<1000xf32>
    %broadcast_in_dim3A_79 = vector.shape_cast %reduce_sum3A_78 : vector<1000xf32> to vector<1000x1xf32>
    %div3A_80 = arith.constant 1.280000e+02 : f32
    %div3A_81 = vector.broadcast %div3A_80 : f32 to vector<1000x1xf32>
    %div3A_82 = arith.divf %broadcast_in_dim3A_79, %div3A_81 : vector<1000x1xf32>
    %sub3A_83 = vector.broadcast %div3A_74 : vector<1000x1xf32> to vector<1000x128xf32>
    %sub3A_84 = arith.subf %add3A_63, %sub3A_83 : vector<1000x128xf32>
    %add3A_85 = arith.constant 9.99999974E-6 : f32
    %add3A_86 = vector.broadcast %add3A_85 : f32 to vector<1000x1xf32>
    %add3A_87 = arith.addf %div3A_82, %add3A_86 : vector<1000x1xf32>
    %sqrt3A = math.sqrt %add3A_87 : vector<1000x1xf32>
    %div3A_88 = vector.broadcast %sqrt3A : vector<1000x1xf32> to vector<1000x128xf32>
    %div3A_89 = arith.divf %sub3A_84, %div3A_88 : vector<1000x128xf32>
    %mul3A_90 = vector.broadcast %get3A_66 : vector<1x128xf32> to vector<1000x128xf32>
    %mul3A_91 = arith.mulf %div3A_89, %mul3A_90 : vector<1000x128xf32>
    %add3A_92 = vector.broadcast %get3A_69 : vector<1x128xf32> to vector<1000x128xf32>
    %add3A_93 = arith.addf %mul3A_91, %add3A_92 : vector<1000x128xf32>
    %get3A_94 = arith.constant 0 : index
    %get3A_95 = arith.constant 0 : index
    %get3A_96 = vector.load %arg13[%get3A_94, %get3A_95] : memref<128x512xf32, #tpu.memory_space<vmem>>, vector<128x512xf32>
    %dot_general3A_97 = arith.constant dense<0.000000e+00> : vector<1000x512xf32>
    %dot_general3A_98 = tpu.matmul %add3A_93, %get3A_96, %dot_general3A_97 {dimension_numbers = #tpu.dot_dimension_numbers<[1], [0], [0], [1], [0, 0, 1, 1], [], []>, transpose_lhs_hint = false} : vector<1000x128xf32>, vector<128x512xf32>, vector<1000x512xf32> -> vector<1000x512xf32>
    %get3A_99 = arith.constant 0 : index
    %get3A_100 = arith.constant 0 : index
    %get3A_101 = vector.load %arg14[%get3A_99, %get3A_100] : memref<1x512xf32, #tpu.memory_space<vmem>>, vector<1x512xf32>
    %add3A_102 = vector.broadcast %get3A_101 : vector<1x512xf32> to vector<1000x512xf32>
    %add3A_103 = arith.addf %dot_general3A_98, %add3A_102 : vector<1000x512xf32>
    %max3A = arith.constant 0.000000e+00 : f32
    %max3A_104 = vector.broadcast %max3A : f32 to vector<1000x512xf32>
    %max3A_105 = arith.maximumf %add3A_103, %max3A_104 : vector<1000x512xf32>
    %get3A_106 = arith.constant 0 : index
    %get3A_107 = arith.constant 0 : index
    %get3A_108 = vector.load %arg15[%get3A_106, %get3A_107] : memref<512x128xf32, #tpu.memory_space<vmem>>, vector<512x128xf32>
    %dot_general3A_109 = arith.constant dense<0.000000e+00> : vector<1000x128xf32>
    %dot_general3A_110 = tpu.matmul %max3A_105, %get3A_108, %dot_general3A_109 {dimension_numbers = #tpu.dot_dimension_numbers<[1], [0], [0], [1], [0, 0, 1, 1], [], []>, transpose_lhs_hint = false} : vector<1000x512xf32>, vector<512x128xf32>, vector<1000x128xf32> -> vector<1000x128xf32>
    %get3A_111 = arith.constant 0 : index
    %get3A_112 = arith.constant 0 : index
    %get3A_113 = vector.load %arg16[%get3A_111, %get3A_112] : memref<1x128xf32, #tpu.memory_space<vmem>>, vector<1x128xf32>
    %add3A_114 = vector.broadcast %get3A_113 : vector<1x128xf32> to vector<1000x128xf32>
    %add3A_115 = arith.addf %dot_general3A_110, %add3A_114 : vector<1000x128xf32>
    %add3A_116 = arith.addf %add3A_63, %add3A_115 : vector<1000x128xf32>
    %swap3A = arith.constant 0 : index
    %swap3A_117 = arith.constant 0 : index
    %swap3A_118 = vector.load %arg17[%swap3A, %swap3A_117] : memref<1000x128xf32, #tpu.memory_space<vmem>>, vector<1000x128xf32>
    tpu.vector_store %arg17[%swap3A, %swap3A_117], %add3A_116 {strides = array<i32>} : memref<1000x128xf32, #tpu.memory_space<vmem>>, vector<1000x128xf32>,
    return
  }
  func.func @transform_0(%arg0: i32) -> (i32, i32, i32) {
    %c0_i32 = arith.constant 0 : i32
    %c0_i32_0 = arith.constant 0 : i32
    %c0_i32_1 = arith.constant 0 : i32
    return %c0_i32, %arg0, %c0_i32_0 : i32, i32, i32
  }
  func.func @transform_1(%arg0: i32) -> (i32, i32, i32) {
    %c0_i32 = arith.constant 0 : i32
    %c0_i32_0 = arith.constant 0 : i32
    %c0_i32_1 = arith.constant 0 : i32
    return %c0_i32, %arg0, %c0_i32_0 : i32, i32, i32
  }
  func.func @transform_2(%arg0: i32) -> (i32, i32) {
    %c0_i32 = arith.constant 0 : i32
    %c0_i32_0 = arith.constant 0 : i32
    return %arg0, %c0_i32 : i32, i32
  }
  func.func @transform_3(%arg0: i32) -> (i32, i32) {
    %c0_i32 = arith.constant 0 : i32
    %c0_i32_0 = arith.constant 0 : i32
    return %arg0, %c0_i32 : i32, i32
  }
  func.func @transform_4(%arg0: i32) -> (i32, i32) {
    %c0_i32 = arith.constant 0 : i32
    %c0_i32_0 = arith.constant 0 : i32
    %c0_i32_1 = arith.constant 0 : i32
    return %c0_i32, %c0_i32_0 : i32, i32
  }
  func.func @transform_5(%arg0: i32) -> (i32, i32) {
    %c0_i32 = arith.constant 0 : i32
    %c0_i32_0 = arith.constant 0 : i32
    %c0_i32_1 = arith.constant 0 : i32
    return %c0_i32, %c0_i32_0 : i32, i32
  }
  func.func @transform_6(%arg0: i32) -> (i32, i32) {
    %c0_i32 = arith.constant 0 : i32
    %c0_i32_0 = arith.constant 0 : i32
    %c0_i32_1 = arith.constant 0 : i32
    return %c0_i32, %c0_i32_0 : i32, i32
  }
  func.func @transform_7(%arg0: i32) -> (i32, i32) {
    %c0_i32 = arith.constant 0 : i32
    %c0_i32_0 = arith.constant 0 : i32
    %c0_i32_1 = arith.constant 0 : i32
    return %c0_i32, %c0_i32_0 : i32, i32
  }
  func.func @transform_8(%arg0: i32) -> (i32, i32) {
    %c0_i32 = arith.constant 0 : i32
    %c0_i32_0 = arith.constant 0 : i32
    %c0_i32_1 = arith.constant 0 : i32
    return %c0_i32, %c0_i32_0 : i32, i32
  }
  func.func @transform_9(%arg0: i32) -> (i32, i32) {
    %c0_i32 = arith.constant 0 : i32
    %c0_i32_0 = arith.constant 0 : i32
    %c0_i32_1 = arith.constant 0 : i32
    return %c0_i32, %c0_i32_0 : i32, i32
  }
  func.func @transform_10(%arg0: i32) -> (i32, i32) {
    %c0_i32 = arith.constant 0 : i32
    %c0_i32_0 = arith.constant 0 : i32
    %c0_i32_1 = arith.constant 0 : i32
    return %c0_i32, %c0_i32_0 : i32, i32
  }
  func.func @transform_11(%arg0: i32) -> (i32, i32) {
    %c0_i32 = arith.constant 0 : i32
    %c0_i32_0 = arith.constant 0 : i32
    %c0_i32_1 = arith.constant 0 : i32
    return %c0_i32, %c0_i32_0 : i32, i32
  }
  func.func @transform_12(%arg0: i32) -> (i32, i32) {
    %c0_i32 = arith.constant 0 : i32
    %c0_i32_0 = arith.constant 0 : i32
    %c0_i32_1 = arith.constant 0 : i32
    return %c0_i32, %c0_i32_0 : i32, i32
  }
  func.func @transform_13(%arg0: i32) -> (i32, i32) {
    %c0_i32 = arith.constant 0 : i32
    %c0_i32_0 = arith.constant 0 : i32
    %c0_i32_1 = arith.constant 0 : i32
    return %c0_i32, %c0_i32_0 : i32, i32
  }
  func.func @transform_14(%arg0: i32) -> (i32, i32) {
    %c0_i32 = arith.constant 0 : i32
    %c0_i32_0 = arith.constant 0 : i32
    %c0_i32_1 = arith.constant 0 : i32
    return %c0_i32, %c0_i32_0 : i32, i32
  }
  func.func @transform_15(%arg0: i32) -> (i32, i32) {
    %c0_i32 = arith.constant 0 : i32
    %c0_i32_0 = arith.constant 0 : i32
    %c0_i32_1 = arith.constant 0 : i32
    return %c0_i32, %c0_i32_0 : i32, i32
  }
  func.func @transform_16(%arg0: i32) -> (i32, i32) {
    %c0_i32 = arith.constant 0 : i32
    %c0_i32_0 = arith.constant 0 : i32
    return %arg0, %c0_i32 : i32, i32
  }
}

</mosaic_0001>

<sc_bundles>
// kernel: kernel.12.cloned.1.call-start
scs
__scs_entry_jumppad:
0x0: {  	(pc) =	sbr.rel $0x88, $3  }
0x1: {  	(tag) =	ssettag $0x0;
	lr =	simm.s32 $0x1  }
0x2: {  	[smem:$0x3F84] =	sst lr;
	_ =	strace $0xD0000000  }
0x3: {  	_ = 	snop  }
0x4: {  	_ = 	snop  }
0x5: {  	_ = 	snop  }
0x6: {  	_ = 	snop  }
0x7: {  	_ = 	snop  }
__scs_overlays_trampoline_lowered:
0x8: {  	[smem:$0x3F93] =	sst s0  }
0x9: {  	[smem:$0x3F94] =	sst s1  }
0xa: {  	[smem:$0x3F95] =	sst s2  }
0xb: {  	[smem:$0x3F96] =	sst s3  }
0xc: {  	[smem:$0x3F97] =	sst s4  }
0xd: {  	[smem:$0x3F98] =	sst s5  }
0xe: {  	[smem:$0x3F99] =	sst s6  }
0xf: {  	[smem:$0x3F9A] =	sst s7  }
0x10: {  	[smem:$0x3F9B] =	sst s8  }
0x11: {  	[smem:$0x3F9C] =	sst s9;
	s0 =	simm.s32 @!p0 $0x0  }
0x12: {  	s1 =	sld [smem:$0x3F82];
	s0 =	simm.s32 @p0 $0x1  }
0x13: {  	[smem:$0x3F9D] =	sst s0;
	s0 =	simm.s32 @!p1 $0x0  }
0x14: {  	s2 =	sld [smem:$0x3F81];
	s0 =	simm.s32 @p1 $0x1  }
0x15: {  	[smem:$0x3F9E] =	sst s0;
	s0 =	simm.s32 @!p2 $0x0  }
0x16: {  	s3 =	sld [smem:$0x3FDB];
	s0 =	simm.s32 @p2 $0x1  }
0x17: {  	s4 =	simm.s32 $0x1BF5;
	[smem:$0x3FA0] =	sst s0  }
0x18: {  	s0 =	sld [smem:$0x3F83];
	_ =	swait.ge [sflag:s4], $0x0  }
0x19: {  	s7 =	sld [smem:$0x3F84]  }
0x1a: {  	s8 =	sadd.s32 $0xFFFFE003, lr  }
0x1b: {  	s9 =	sadd.s32 $0xFFFFFEF7, lr;
	s5 =	simm.s32 $0xFFFFFFFF;
	p2 =	slt.u32 s8, $0xFFFFF086  }
0x1c: {  	p1 =	slt.u32 s9, $0xF7A;
	s5 =	simm.s32 @!p2 $0x0  }
0x1d: {  	s5 =	simm.s32 @p1 $0x1;
	p0 =	seq.s32 s7, s2  }
0x1e: {  	s7 =	smul.u32 @!p0 $0xF7A, s2;
	p2 =	seq.s32 @!p0 s5, $0x0  }
0x1f: {  	s9 =	smul.u32 $0xF7A, s1;
	s8 =	simm.s32 @!p0 $0x1BF5;
	p2 =	por !p2, p0  }
0x20: {  	[sflag:s8] =	ssyncset.s32 @!p0 $0xFFFFF086;
	s6 =	sadd.s32 @!p0 s3, s7;
	s7 =	simm.s32 @!p0 $0x108  }
0x21: {  	s3 =	sadd.s32 s3, s9;
	s6 =	sadd.s32 @!p0 $0x88, s6;
	s7 =	simm.s32 @p2 $0x1082  }
0x22: {  	[simem:s7], [sflag:s8] =	dma.local @!p0 [hbm:s6], $0xF7A  }
0x23: {  	s9 =	sor.u32 $0xD0000000, s2;
	s6 =	simm.s32 $0x108;
	_ =	swait.ge @!p0 [sflag:s8], $0x0  }
0x24: {  	s3 =	sadd.s32 $0x88, s3;
	s6 =	simm.s32 @!p1 $0x1082;
	[sflag:s4] =	ssyncset.s32 $0xFFFFF086  }
0x25: {  	[simem:s6], [sflag:s4] =	dma.local [hbm:s3], $0xF7A  }
0x26: {  	[smem:$0x3F84] =	sst s1;
	(tag) =	ssettag s2;
	_ =	strace s9  }
0x27: {  	s1 =	sld [smem:$0x3F94]  }
0x28: {  	s2 =	sld [smem:$0x3F95]  }
0x29: {  	s4 =	sld [smem:$0x3F97]  }
0x2a: {  	p0 =	seq.s32 s5, $0x0;
	s5 =	sld [smem:$0x3F98]  }
0x2b: {  	s6 =	sld [smem:$0x3F99]  }
0x2c: {  	s7 =	sld [smem:$0x3F9A]  }
0x2d: {  	s3 =	simm.s32 $0x108;
	s8 =	sld [smem:$0x3F9B]  }
0x2e: {  	s3 =	simm.s32 @!p0 $0x1082;
	s9 =	sld [smem:$0x3F9C]  }
0x2f: {  	lr =	sadd.s32 s0, s3;
	s0 =	sld [smem:$0x3F93]  }
0x30: {  	s3 =	sld [smem:$0x3F96]  }
0x31: {  	[smem:$0x3F9F] =	sst s10  }
0x32: {  	s10 =	sld [smem:$0x3F9D];
	_ =	sdelay $0x3  }
0x33: {  	p0 =	seq.s32 s10, $0x1;
	s10 =	sld [smem:$0x3F9F];
	_ =	sdelay $0x3  }
0x34: {  	[smem:$0x3F9F] =	sst s10  }
0x35: {  	s10 =	sld [smem:$0x3F9E];
	_ =	sdelay $0x3  }
0x36: {  	p1 =	seq.s32 s10, $0x1;
	s10 =	sld [smem:$0x3F9F];
	_ =	sdelay $0x3  }
0x37: {  	[smem:$0x3F9F] =	sst s10  }
0x38: {  	s10 =	sld [smem:$0x3FA0]  }
0x39: {  	_ = 	snop;
	(pc) =	sbr.ind lr, $3  }
0x3a: {  	_ = 	snop  }
0x3b: {  	_ = 	snop  }
0x3c: {  	p2 =	seq.s32 s10, $0x1;
	s10 =	sld [smem:$0x3F9F]  }
0x3d: {  	_ =	shalt  }
0x3e: {  	_ =	shalt  }
0x3f: {  	_ =	shalt  }
0x40: {  	_ =	shalt  }
0x41: {  	_ =	shalt  }
0x42: {  	_ =	shalt  }
0x43: {  	_ =	shalt  }
0x44: {  	_ =	shalt  }
0x45: {  	_ =	shalt  }
0x46: {  	_ =	shalt  }
0x47: {  	_ =	shalt  }
0x48: {  	_ =	shalt  }
0x49: {  	_ =	shalt  }
0x4a: {  	_ =	shalt  }
0x4b: {  	_ =	shalt  }
0x4c: {  	_ =	shalt  }
0x4d: {  	_ =	shalt  }
0x4e: {  	_ =	shalt  }
0x4f: {  	_ =	shalt  }
0x50: {  	_ =	shalt  }
0x51: {  	_ =	shalt  }
0x52: {  	_ =	shalt  }
0x53: {  	_ =	shalt  }
0x54: {  	_ =	shalt  }
0x55: {  	_ =	shalt  }
0x56: {  	_ =	shalt  }
0x57: {  	_ =	shalt  }
0x58: {  	_ =	shalt  }
0x59: {  	_ =	shalt  }
0x5a: {  	_ =	shalt  }
0x5b: {  	_ =	shalt  }
0x5c: {  	_ =	shalt  }
0x5d: {  	_ =	shalt  }
0x5e: {  	_ =	shalt  }
0x5f: {  	_ =	shalt  }
0x60: {  	_ =	shalt  }
0x61: {  	_ =	shalt  }
0x62: {  	_ =	shalt  }
0x63: {  	_ =	shalt  }
0x64: {  	_ =	shalt  }
0x65: {  	_ =	shalt  }
0x66: {  	_ =	shalt  }
0x67: {  	_ =	shalt  }
0x68: {  	_ =	shalt  }
0x69: {  	_ =	shalt  }
0x6a: {  	_ =	shalt  }
0x6b: {  	_ =	shalt  }
0x6c: {  	_ =	shalt  }
0x6d: {  	_ =	shalt  }
0x6e: {  	_ =	shalt  }
0x6f: {  	_ =	shalt  }
0x70: {  	_ =	shalt  }
0x71: {  	_ =	shalt  }
0x72: {  	_ =	shalt  }
0x73: {  	_ =	shalt  }
0x74: {  	_ =	shalt  }
0x75: {  	_ =	shalt  }
0x76: {  	_ =	shalt  }
0x77: {  	_ =	shalt  }
0x78: {  	_ =	shalt  }
0x79: {  	_ =	shalt  }
0x7a: {  	_ =	shalt  }
0x7b: {  	_ =	shalt  }
0x7c: {  	_ =	shalt  }
0x7d: {  	_ =	shalt  }
0x7e: {  	_ =	shalt  }
0x7f: {  	_ =	shalt  }
0x80: {  	_ =	shalt  }
0x81: {  	_ =	shalt  }
0x82: {  	_ =	shalt  }
0x83: {  	_ =	shalt  }
0x84: {  	_ =	shalt  }
0x85: {  	_ =	shalt  }
0x86: {  	_ =	shalt  }
0x87: {  	_ =	shalt  }
.Lfunc_end0:
.L_simem_size_0:
called_computation.1_lowered:
.L_overlay_start_0:
0x88: {  	s2 =	sld [smem:$0x3FD9]  }
0x89: {  	s3 =	sld [smem:$0x3FFE];
	_ =	sdelay $0x1  }
0x8a: {  	s1 =	srdreg.scid  }
0x8b: {  	s0 =	sand.u32 $0x1, s1  }
0x8c: {  	s17 =	sshll.u32 s0, $0xA;
	s2 =	sadd.s32 s3, s2  }
0x8d: {  	s2 =	sadd.s32 s2, s17  }
0x8e: {  	[smem:$0x3FAB] =	sst s2  }
0x8f: {  	_ = 	snop  }
0x90: {  	s18 =	sld [smem:$0x3FD0];
	(tm) =	ssettm $0x1  }
0x91: {  	s19 =	sld [smem:$0x3FFB];
	_ =	sdelay $0x3  }
0x92: {  	_ =	strace s19  }
0x93: {  	s2 =	sld [smem:$0x3FFC];
	_ =	sdelay $0x3  }
0x94: {  	_ =	strace s2  }
0x95: {  	s2 =	sld [smem:$0x3FFD];
	_ =	sdelay $0x3  }
0x96: {  	_ =	strace s2  }
0x97: {  	_ =	strace $0x8FFFFFFF  }
0x98: {  	s20 =	sld [smem:$0x3FDB];
	_ =	sdelay $0x1  }
0x99: {  	s4 =	simm.s32 $_scs_section_size  }
0x9a: {  	s5 =	simm.s32 $_size__tile_overlayer_lowered;
	s6 =	simm.s32 $_tile_overlayer_lowered  }
0x9b: {  	s7 =	simm.s32 $0x1BFF;
	s21 =	sshll.u32 s6, $0x1;
	s4 =	sadd.s32 s4, s20  }
0x9c: {  	s22 =	simm.s32 $0x0;
	s5 =	sshll.u32 s5, $0x1;
	s6 =	sadd.s32 s21, s4  }
0x9d: {  	[timem:s22], [sflag:s7] =	dma.local [hbm:s6], s5  }
0x9e: {  	_ =	swait.ge [sflag:s7], s5  }
0x9f: {  	s5 =	ssub.s32 $0x0, s5;
	[sflag:s7] =	ssyncset.done $0x0  }
0xa0: {  	[sflag:s7] =	ssyncadd.s32 s5;
	_ =	sdelay $0x1  }
0xa1: {  	s23 =	simm.s32 $0x1B8B  }
0xa2: {  	_ =	swait.ge [sflag:s23], $0x1  }
0xa3: {  	[sflag:s23] =	ssyncset.done $0x0  }
0xa4: {  	[sflag:s23] =	ssyncadd.s32 $0xFFFFFFFF  }
0xa5: {  	s5 =	sld [smem:$0x0]  }
0xa6: {  	s6 =	sand.u32 $0xFFFFFFFE, s1  }
0xa7: {  	p0 =	sne.s32 s1, s6  }
0xa8: {  	s6 =	sshll.u32 @p0 s6, $0xE  }
0xa9: {  	s6 =	sadd.s32 @p0 $0x11B8D, s6;
	s7 =	sshll.u32 @p0 s5, $0x11  }
0xaa: {  	s6 =	sor.u32 @p0 s7, s6  }
0xab: {  	[sflag:s6] =	ssyncadd.remote.s32 @p0 $0x1;
	_ =	sdelay $0x1  }
0xac: {  	s6 =	simm.s32 @p0 $0x1B8D  }
0xad: {  	_ =	swait.eq @p0 [sflag:s6], $0x1  }
0xae: {  	[sflag:s6] =	ssyncadd.s32 @p0 $0xFFFFFFFF  }
0xaf: {  	s7 =	sshll.u32 @!p0 s1, $0xE  }
0xb0: {  	s7 =	sor.u32 @!p0 $0x4000, s7;
	s6 =	simm.s32 @!p0 $0x1B8D  }
0xb1: {  	s5 =	sshll.u32 @!p0 s5, $0x11;
	s7 =	sadd.s32 @!p0 $0x11B8D, s7;
	_ =	swait.eq @!p0 [sflag:s6], $0x1  }
0xb2: {  	s5 =	sor.u32 @!p0 s5, s7;
	[sflag:s6] =	ssyncadd.s32 @!p0 $0xFFFFFFFF  }
0xb3: {  	s25 =	simm.s32 $0x1B8E;
	s24 =	sld [smem:$0x3FFE];
	[sflag:s5] =	ssyncadd.remote.s32 @!p0 $0x1  }
0xb4: {  	s26 =	simm.s32 $execute0_lowered;
	[smem:$0x3FD2] =	sst s25  }
0xb5: {  	s6 =	sshll.u32 s26, $0x1;
	_ =	strace $0x8000004C;
	[dreg:$0x1] =	wrdreg $0xFFFFFFFF  }
0xb6: {  	s28 =	simm.s32 $_size_execute0_lowered;
	s4 =	sadd.s32 s4, s6;
	[dreg:$0x0] =	wrdreg $0x0  }
0xb7: {  	s6 =	sshll.u32 s28, $0x1;
	[dreg:$0x2] =	wrdreg s4  }
0xb8: {  	[dreg:$0x3] =	wrdreg s6  }
0xb9: {  	[dreg:$0x4] =	wrdreg $0xC0  }
0xba: {  	_ =	task [dreg:s22], $0x5FFFF  }
0xbb: {  	[dreg:$0x1] =	wrdreg $0xFFFFFFFF  }
0xbc: {  	[dreg:$0x0] =	wrdreg $0x60  }
0xbd: {  	[dreg:$0x2] =	wrdreg s24  }
0xbe: {  	[dreg:$0x3] =	wrdreg s18  }
0xbf: {  	[dreg:$0x4] =	wrdreg $0x9F800  }
0xc0: {  	[dreg:$0x5] =	wrdreg $0x9  }
0xc1: {  	_ =	task.clear_ibuf [dreg:s22], $0x6FFFF;
	_ =	strace $0x9000004C  }
0xc2: {  	s29 =	simm.s32 $0x9;
	_ =	strace $0x8000004E  }
0xc3: {  	_ =	swait.ge [sflag:s29], $0x1  }
0xc4: {  	[sflag:s29] =	ssyncadd.s32 $0xFFFFFFFF  }
0xc5: {  	_ =	strace $0x9000004E  }
0xc6: {  	_ =	sfence  }
0xc7: {  	s30 =	sld [smem:$0x0];
	_ =	sdelay $0x2  }
0xc8: {  	s31 =	sshll.u32 s1, $0xD;
	s1 =	sshrl.u32 s1, $0x2  }
0xc9: {  	s4 =	sand.u32 $0x4000, s31;
	s1 =	sadd.s32 s1, s30  }
0xca: {  	s0 =	sor.u32 s4, s0;
	s1 =	sshll.u32 s1, $0x11  }
0xcb: {  	s0 =	sor.u32 s1, s0  }
0xcc: {  	s0 =	sadd.s32 $0x8F2B, s0  }
0xcd: {  	[sflag:s0] =	ssyncadd.remote.s32 $0x1  }
0xce: {  	_ =	sfence.sel $0xFFFF  }
0xcf: {  	[dreg:$0x0] =	wrdreg $0xFFFFFFFF;
	(pc) =	sbr.abs _section_cstart, $3  }
0xd0: {  	[dreg:$0x1] =	wrdreg $0xFFFFFFFF  }
0xd1: {  	_ =	task.clear_ibuf [dreg:s22], $0x2FFFF;
	_ =	strace $0x9FFFFFFF  }
0xd2: {  	(tm) =	ssettm $0x7FFFFFFF  }
0xd3: {  	_ =	shalt  }
tec
execute0_lowered:
.L_overlay_start_1:
0x0: {  	(tag) =	ssettag $0x1  }
0x1: {  	s0 =	rddreg [dreg:$0x0];
	s1 =	srdreg.scid  }
0x2: {  	s16 =	stileid.u32;
	s5 =	rddreg [dreg:$0x1]  }
0x3: {  	s2 =	rddreg [dreg:$0x2];
	s19 =	simm.s32 $0x1;
	s8 =	smul.u32 $0x4E000, s16  }
0x4: {  	s20 =	simm.s32 $0x50;
	s1 =	sand.u32 $0x1, s1;
	s10 =	smul.u32 $0x2700, s16  }
0x5: {  	s3 =	sshll.u32 s16, $0x1;
	s11 =	sadd.s32 $0x1416E00, s0;
	s14 =	smul.u32 $0x13800, s16  }
0x6: {  	s13 =	sadd.s32 $0x124800, s2;
	s30 =	smul.u32 $0x4E200, s16;
	p0 =	seq.s32 s16, $0xF  }
0x7: {  	s6 =	sor.u32 s1, s3;
	s3 =	simm.s32 $0x0;
	s28 =	smul.u32 $0x138800, s1  }
0x8: {  	s21 =	ssub.s32 $0x2, s1;
	s1 =	smul.u32 $0x27100, s1;
	s13 =	sshrl.u32 @p0 s13, $0x3  }
0x9: {  	s4 =	smul.u32 $0x2710, s6;
	[smem:$0x7FF] =	sst s3;
	s9 =	sshrl.u32 s21, $0x1  }
0xa: {  	s22 =	sshrl.u32 s8, $0x2;
	s23 =	smul.u32 $0x138800, s6;
	s24 =	sadd.s32 s5, s10  }
0xb: {  	s25 =	smul.u32 $0x27100, s6;
	s5 =	sadd.s32 $0x24900, s5;
	s31 =	sadd.s32 s30, s11  }
0xc: {  	_ =	strace $0x8000004D;
	s12 =	ssub.s32 s21, s9;
	s15 =	sadd.s32 s22, s2  }
0xd: {  	[dreg:$0x4] =	wrdreg s24;
	s29 =	sadd.s32 s14, s28;
	s10 =	sshrl.u32 s28, $0x3  }
0xe: {  	s21 =	simm.s32 $0x2;
	s22 =	simm.s32 $0x0;
	s4 =	sshrl.u32 s4, $0x3  }
0xf: {  	s26 =	sshrl.u32 s23, $0x3;
	s9 =	sshrl.u32 s29, $0x3;
	s15 =	sshrl.u32 @!p0 s15, $0x3  }
0x10: {  	s7 =	sadd.s32 s4, s0;
	s0 =	sadd.s32 $0xF34E00, s0;
	s8 =	sadd.s32 s11, s26  }
0x11: {  	s6 =	sadd.s32 $0x5C00, s7;
	s7 =	sadd.s32 s11, s25;
	s8 =	sadd.s32 $0x500, s8  }
0x12: {  	s10 =	sadd.s32 s0, s10;
	s9 =	sadd.s32 s0, s9;
	s0 =	sadd.s32 s1, s31  }
0x13: {  	s11 =	smax.u32 s12, $0x1;
	s12 =	sadd.s32 $0xA00, s0;
	s0 =	sshll.u32 @!p0 s16, $0x6  }
0x14: {  	s10 =	sadd.s32 $0x24900, s10;
	s16 =	simm.s32 $0x3;
	s14 =	sor.u32 @!p0 $0x1C03, s0  }
.LBB2_1:
0x15: {  	s0 =	simm.s32 @p0 $0x1FC3  }
0x16: {  	[spmem:s13], [sflag:s0] =	dma.local @p0 [hbm:s5], $0x2800  }
0x17: {  	s0 =	simm.s32 @p0 $0x3  }
0x18: {  	_ =	swait.ge @p0 [sflag:s0], $0x2800  }
0x19: {  	[sflag:s0] =	ssyncset.done @p0 $0x0  }
0x1a: {  	s25 =	simm.s32 $0x2780;
	[sflag:s0] =	ssyncadd.s32 @p0 $0xFFFFD800;
	s0 =	rddreg [dreg:$0x4]  }
0x1b: {  	[spmem:s15], [sflag:s14] =	dma.local @!p0 [hbm:s0], $0x2700  }
0x1c: {  	s26 =	simm.s32 $0x4F80;
	p1 =	por $0x0, $0x0;
	s0 =	simm.s32 @!p0 $0x3  }
0x1d: {  	s1 =	smul.u32 $0xAB, s3;
	s24 =	sadd.s32 $0x500, s12;
	_ =	swait.ge @!p0 [sflag:s0], $0x2700  }
0x1e: {  	p3 =	por $0x0, $0x0;
	s23 =	simm.s32 $0x50;
	[sflag:s0] =	ssyncset.done @!p0 $0x0  }
0x1f: {  	s1 =	sshrl.u32 s1, $0x9;
	[sflag:s0] =	ssyncadd.s32 @!p0 $0xFFFFD900;
	s0 =	simm.s32 $0x2  }
0x20: {  	[tilespmem:s3], [sflag:$0x3] =	stream.linear.gather [hbm4b:s6+s3], $0x2710, $0x38;
	[tilespmem:$0x1D800] =	vst v63  }
0x21: {  	s30 =	simm.s32 $0x3;
	s1 =	sand.u32 $0x7F, s1;
	s0 =	smul.u32 @!p1 $0xAB, s0  }
0x22: {  	s1 =	smul.u32 $0x3, s1;
	p1 =	por p1, p1;
	_ =	swait.ge [sflag:s16], $0x2710  }
0x23: {  	s29 =	smov.u32 s12;
	[sflag:s16] =	ssyncset.done $0x0;
	s0 =	sshrl.u32 @!p1 s0, $0x9  }
0x24: {  	s1 =	ssub.s32 $0x0, s1;
	[sflag:s16] =	ssyncadd.s32 $0xFFFFD8F0;
	s0 =	sand.u32 @!p1 $0x7F, s0  }
0x25: {  	s1 =	sand.u32 $0xFF, s1;
	[bflag:$0x0] =	sbarrier.arrive $0xFFFF;
	s0 =	smul.u32 @!p1 $0x3, s0  }
0x26: {  	[tilespmem:s25], [sflag:$0x1] =	stream.linear.gather [hbm4b:s7+s3], $0x2800, $0x38;
	[tilespmem:$0x1D800] =	vst v63  }
0x27: {  	s28 =	smul.u32 $0xA000, s1;
	p2 =	por @!p1 $0x1, $0x1;
	s0 =	ssub.s32 @!p1 $0x2, s0  }
0x28: {  	[tilespmem:s26], [sflag:$0x1] =	stream.linear.gather [hbm4b:s8+s3], $0x2800, $0x38;
	[tilespmem:$0x1D800] =	vst v63  }
0x29: {  	s1 =	smul.u32 @!p3 $0xAB, s30;
	p2 =	por p2, p1;
	s0 =	sand.u32 @!p1 $0xFF, s0  }
0x2a: {  	s31 =	sshrl.u32 s28, $0x2;
	s17 =	simm.s32 @!p2 $0x2;
	s0 =	smul.u32 @!p1 $0xA000, s0  }
0x2b: {  	s28 =	simm.s32 $0x0;
	s25 =	simm.s32 $0x1;
	_ =	swait.ge @!p2 [sflag:s17], $0x2800  }
0x2c: {  	s26 =	simm.s32 $0x2;
	[sflag:s17] =	ssyncset.done @!p2 $0x0;
	s0 =	sshrl.u32 @!p1 s0, $0x2  }
0x2d: {  	[sflag:s17] =	ssyncadd.s32 @!p2 $0xFFFFD800;
	s17 =	simm.s32 @!p1 $0x0;
	s0 =	sadd.s32 @!p1 $0x2780, s0  }
.LBB2_2:
0x2e: {  	[tilespmem:s0], [sflag:$0x1] =	stream.linear.gather @!p1 [hbm4b:s29+s17], $0x2800, $0x38;
	[tilespmem:$0x1D800] =	vst v63  }
0x2f: {  	s0 =	smov.u32 s26  }
0x30: {  	s29 =	smov.u32 s24;
	s17 =	smov.u32 s28;
	p1 =	por p3, p3  }
0x31: {  	s31 =	sadd.s32 $0x2780, s31;
	s1 =	sshrl.u32 @!p1 s1, $0x9;
	_ =	swait.ge [sflag:s19], $0x2800  }
0x32: {  	s28 =	smul.u32 $0xAB, s25;
	s1 =	sand.u32 @!p1 $0x7F, s1;
	[sflag:s19] =	ssyncset.done $0x0  }
0x33: {  	s26 =	sadd.s32 $0x1, s26;
	s1 =	smul.u32 @!p1 $0x3, s1;
	[sflag:s19] =	ssyncadd.s32 $0xFFFFD800  }
0x34: {  	p2 =	sne.s32 s26, $0x7D;
	s18 =	sshrl.u32 s28, $0x9;
	s28 =	smov.u32 s23  }
0x35: {  	p3 =	seq.s32 @!p1 s25, $0x0;
	s18 =	sand.u32 $0x7F, s18;
	s1 =	ssub.s32 @!p1 s30, s1  }
0x36: {  	p4 =	por p3, p1;
	s18 =	smul.u32 $0x3, s18;
	s1 =	sand.u32 @!p1 $0xFF, s1  }
0x37: {  	s4 =	simm.s32 @!p4 $0x2;
	s1 =	smul.u32 @!p1 $0xA000, s1  }
0x38: {  	s18 =	ssub.s32 s25, s18;
	s25 =	smov.u32 s0  }
0x39: {  	s0 =	sand.u32 $0xFF, s18;
	s1 =	sshrl.u32 @!p1 s1, $0x2  }
0x3a: {  	[spmem:s2] =	stream.indirect.scatter.add.f32 [tilespmem:s31], [sflag:$0x2], $0x80, s17, s20, $0xb8;
	[tilespmem:$0x1D800] =	vst v63  }
.Ltmp0:
0x3b: {  	_ = 	snop;
	(pc) =	sbr.rel @p2 .LBB2_2-.Ltmp0, $4  }
0x3c: {  	s24 =	sadd.s32 $0x500, s24;
	s18 =	smul.u32 $0xA000, s0;
	_ =	swait.ge @!p4 [sflag:s4], $0x2800  }
0x3d: {  	s23 =	sadd.s32 $0x50, s23;
	p3 =	sgt.u32 s25, $0x7A;
	[sflag:s4] =	ssyncset.done @!p4 $0x0  }
0x3e: {  	s30 =	sadd.s32 $0x2, s25;
	s0 =	sadd.s32 @!p1 $0x2780, s1;
	[sflag:s4] =	ssyncadd.s32 @!p4 $0xFFFFD800  }
0x3f: {  	s1 =	smul.u32 @!p3 $0xAB, s30;
	s17 =	simm.s32 @!p1 $0x0;
	s31 =	sshrl.u32 s18, $0x2  }
0x40: {  	[tilespmem:s0], [sflag:$0x1] =	stream.linear.gather @!p1 [hbm4b:s29+s17], $0x2800, $0x38;
	[tilespmem:$0x1D800] =	vst v63  }
0x41: {  	p1 =	por p3, p3  }
0x42: {  	s29 =	smul.u32 $0xAB, s25;
	s0 =	sshrl.u32 @!p1 s1, $0x9;
	_ =	swait.ge [sflag:s19], $0x2800  }
0x43: {  	s4 =	sadd.s32 $0x2780, s31;
	s0 =	sand.u32 @!p1 $0x7F, s0;
	[sflag:s19] =	ssyncset.done $0x0  }
0x44: {  	s1 =	sshrl.u32 s29, $0x9;
	s0 =	smul.u32 @!p1 $0x3, s0;
	[sflag:s19] =	ssyncadd.s32 $0xFFFFD800  }
0x45: {  	[spmem:s2] =	stream.indirect.scatter.add.f32 [tilespmem:s4], [sflag:$0x2], $0x80, s28, s20, $0xb8;
	[tilespmem:$0x1D800] =	vst v63  }
0x46: {  	p2 =	seq.s32 @!p1 s25, $0x0;
	s1 =	sand.u32 $0x7F, s1;
	s0 =	ssub.s32 @!p1 s30, s0  }
0x47: {  	p2 =	por p2, p1;
	s1 =	smul.u32 $0x3, s1;
	s0 =	sand.u32 @!p1 $0xFF, s0  }
0x48: {  	s17 =	simm.s32 @!p2 $0x2;
	s0 =	smul.u32 @!p1 $0xA000, s0  }
0x49: {  	s4 =	simm.s32 @!p1 $0x0;
	_ =	swait.ge @!p2 [sflag:s17], $0x2800;
	s1 =	ssub.s32 s25, s1  }
0x4a: {  	[sflag:s17] =	ssyncset.done @!p2 $0x0;
	s1 =	sand.u32 $0xFF, s1;
	s0 =	sshrl.u32 @!p1 s0, $0x2  }
0x4b: {  	[sflag:s17] =	ssyncadd.s32 @!p2 $0xFFFFD800;
	s1 =	smul.u32 $0xA000, s1;
	s0 =	sadd.s32 @!p1 $0x2780, s0  }
0x4c: {  	[tilespmem:s0], [sflag:$0x1] =	stream.linear.gather @!p1 [hbm4b:s24+s4], $0x2800, $0x38;
	[tilespmem:$0x1D800] =	vst v63  }
0x4d: {  	_ =	swait.ge [sflag:s19], $0x2800  }
0x4e: {  	s31 =	sshrl.u32 s1, $0x2;
	[sflag:s19] =	ssyncset.done $0x0  }
0x4f: {  	s0 =	sadd.s32 $0x2780, s31;
	[sflag:s19] =	ssyncadd.s32 $0xFFFFD800  }
0x50: {  	[spmem:s2] =	stream.indirect.scatter.add.f32 [tilespmem:s0], [sflag:$0x2], $0x80, s23, s20, $0xb8;
	[tilespmem:$0x1D800] =	vst v63  }
0x51: {  	_ =	swait.ge [sflag:s21], $0x2800  }
0x52: {  	[sflag:s21] =	ssyncset.done $0x0  }
0x53: {  	[sflag:s21] =	ssyncadd.s32 $0xFFFFD800  }
0x54: {  	_ =	swait.ge [sflag:s21], $0x2800  }
0x55: {  	[sflag:s21] =	ssyncset.done $0x0  }
0x56: {  	[sflag:s21] =	ssyncadd.s32 $0xFFFFD800  }
0x57: {  	_ =	swait.ge [sflag:s21], $0x2800  }
0x58: {  	[sflag:s21] =	ssyncset.done $0x0  }
0x59: {  	[sflag:s21] =	ssyncadd.s32 $0xFFFFD800  }
0x5a: {  	s0 =	simm.s32 @p0 $0x1FC3;
	[bflag:$0x0] =	sbarrier.arrive $0xFFFF  }
0x5b: {  	[hbm:s10], [sflag:s0] =	dma.local @p0 [spmem:s13], $0x2800  }
0x5c: {  	s0 =	simm.s32 @p0 $0x3  }
0x5d: {  	s22 =	sadd.s32 $0x1, s22;
	_ =	swait.ge @p0 [sflag:s0], $0x2800  }
0x5e: {  	p1 =	sne.s32 s22, s11;
	[sflag:s0] =	ssyncset.done @p0 $0x0  }
.Ltmp1:
0x5f: {  	[sflag:s0] =	ssyncadd.s32 @p0 $0xFFFFD800;
	s0 =	simm.s32 @!p0 $0x3;
	(pc) =	sbr.rel @p1 .LBB2_1-.Ltmp1, $4  }
0x60: {  	[hbm:s9], [sflag:s14] =	dma.local @!p0 [spmem:s15], $0x2700  }
0x61: {  	_ =	swait.ge @!p0 [sflag:s0], $0x2700  }
0x62: {  	[sflag:s0] =	ssyncset.done @!p0 $0x0  }
0x63: {  	[sflag:s0] =	ssyncadd.s32 @!p0 $0xFFFFD900  }
0x64: {  	_ =	sfence.sel $0x180000  }
0x65: {  	[bflag:$0x0] =	sbarrier.arrive $0xFFFF  }
0x66: {  	_ =	strace $0x9000004D  }
0x67: {  	s0 =	stileid.u32;
	[bflag:$0x2] =	sbarrier.arrive $0xFFFF  }
0x68: {  	p0 =	sne.s32 s0, $0x0;
	s0 =	rddreg [dreg:$0x3]  }
0x69: {  	s0 =	sadd.s32 @!p0 $0x100000, s0  }
0x6a: {  	[sflag:s0] =	ssyncadd.tile.s32 @!p0 $0x1;
	_ =	shalt  }
.Lfunc_end2:
_tile_overlayer_lowered:
.L_overlay_start_2:
0x6b: {  	(tag) =	ssettag $0x2  }
0x6c: {  	s0 =	rddreg [dreg:$0x0];
	s2 =	stileid.u32  }
0x6d: {  	s1 =	rddreg [dreg:$0x1];
	p0 =	sne.s32 s2, $0x0  }
0x6e: {  	s3 =	rddreg [dreg:$0x2];
	[bflag:$0x3] =	sbarrier.arrive $0xFFFF;
	s2 =	simm.s32 @!p0 $0x1C03  }
0x6f: {  	[timem:s3], [sflag:s2] =	dma.local @!p0 [hbm:s0], s1  }
0x70: {  	s0 =	simm.s32 @!p0 $0x3  }
0x71: {  	_ =	swait.ge @!p0 [sflag:s0], s1  }
0x72: {  	s1 =	ssub.s32 @!p0 $0x0, s1;
	[sflag:s0] =	ssyncset.done @!p0 $0x0  }
0x73: {  	[sflag:s0] =	ssyncadd.s32 @!p0 s1  }
0x74: {  	[bflag:$0x3] =	sbarrier.arrive $0xFFFF  }
0x75: {  	_ =	shalt  }

// kernel: kernel.15.cloned.1.call-start
scs
__scs_entry_jumppad:
0x0: {  	(pc) =	sbr.rel $0x88, $3  }
0x1: {  	(tag) =	ssettag $0x0;
	lr =	simm.s32 $0x1  }
0x2: {  	[smem:$0x3F84] =	sst lr;
	_ =	strace $0xD0000000  }
0x3: {  	_ = 	snop  }
0x4: {  	_ = 	snop  }
0x5: {  	_ = 	snop  }
0x6: {  	_ = 	snop  }
0x7: {  	_ = 	snop  }
__scs_overlays_trampoline_lowered:
0x8: {  	[smem:$0x3F93] =	sst s0  }
0x9: {  	[smem:$0x3F94] =	sst s1  }
0xa: {  	[smem:$0x3F95] =	sst s2  }
0xb: {  	[smem:$0x3F96] =	sst s3  }
0xc: {  	[smem:$0x3F97] =	sst s4  }
0xd: {  	[smem:$0x3F98] =	sst s5  }
0xe: {  	[smem:$0x3F99] =	sst s6  }
0xf: {  	[smem:$0x3F9A] =	sst s7  }
0x10: {  	[smem:$0x3F9B] =	sst s8  }
0x11: {  	[smem:$0x3F9C] =	sst s9;
	s0 =	simm.s32 @!p0 $0x0  }
0x12: {  	s1 =	sld [smem:$0x3F82];
	s0 =	simm.s32 @p0 $0x1  }
0x13: {  	[smem:$0x3F9D] =	sst s0;
	s0 =	simm.s32 @!p1 $0x0  }
0x14: {  	s2 =	sld [smem:$0x3F81];
	s0 =	simm.s32 @p1 $0x1  }
0x15: {  	[smem:$0x3F9E] =	sst s0;
	s0 =	simm.s32 @!p2 $0x0  }
0x16: {  	s3 =	sld [smem:$0x3FDB];
	s0 =	simm.s32 @p2 $0x1  }
0x17: {  	s4 =	simm.s32 $0x1BF5;
	[smem:$0x3FA0] =	sst s0  }
0x18: {  	s0 =	sld [smem:$0x3F83];
	_ =	swait.ge [sflag:s4], $0x0  }
0x19: {  	s7 =	sld [smem:$0x3F84]  }
0x1a: {  	s8 =	sadd.s32 $0xFFFFE003, lr  }
0x1b: {  	s9 =	sadd.s32 $0xFFFFFEF7, lr;
	s5 =	simm.s32 $0xFFFFFFFF;
	p2 =	slt.u32 s8, $0xFFFFF086  }
0x1c: {  	p1 =	slt.u32 s9, $0xF7A;
	s5 =	simm.s32 @!p2 $0x0  }
0x1d: {  	s5 =	simm.s32 @p1 $0x1;
	p0 =	seq.s32 s7, s2  }
0x1e: {  	s7 =	smul.u32 @!p0 $0xF7A, s2;
	p2 =	seq.s32 @!p0 s5, $0x0  }
0x1f: {  	s9 =	smul.u32 $0xF7A, s1;
	s8 =	simm.s32 @!p0 $0x1BF5;
	p2 =	por !p2, p0  }
0x20: {  	[sflag:s8] =	ssyncset.s32 @!p0 $0xFFFFF086;
	s6 =	sadd.s32 @!p0 s3, s7;
	s7 =	simm.s32 @!p0 $0x108  }
0x21: {  	s3 =	sadd.s32 s3, s9;
	s6 =	sadd.s32 @!p0 $0x88, s6;
	s7 =	simm.s32 @p2 $0x1082  }
0x22: {  	[simem:s7], [sflag:s8] =	dma.local @!p0 [hbm:s6], $0xF7A  }
0x23: {  	s9 =	sor.u32 $0xD0000000, s2;
	s6 =	simm.s32 $0x108;
	_ =	swait.ge @!p0 [sflag:s8], $0x0  }
0x24: {  	s3 =	sadd.s32 $0x88, s3;
	s6 =	simm.s32 @!p1 $0x1082;
	[sflag:s4] =	ssyncset.s32 $0xFFFFF086  }
0x25: {  	[simem:s6], [sflag:s4] =	dma.local [hbm:s3], $0xF7A  }
0x26: {  	[smem:$0x3F84] =	sst s1;
	(tag) =	ssettag s2;
	_ =	strace s9  }
0x27: {  	s1 =	sld [smem:$0x3F94]  }
0x28: {  	s2 =	sld [smem:$0x3F95]  }
0x29: {  	s4 =	sld [smem:$0x3F97]  }
0x2a: {  	p0 =	seq.s32 s5, $0x0;
	s5 =	sld [smem:$0x3F98]  }
0x2b: {  	s6 =	sld [smem:$0x3F99]  }
0x2c: {  	s7 =	sld [smem:$0x3F9A]  }
0x2d: {  	s3 =	simm.s32 $0x108;
	s8 =	sld [smem:$0x3F9B]  }
0x2e: {  	s3 =	simm.s32 @!p0 $0x1082;
	s9 =	sld [smem:$0x3F9C]  }
0x2f: {  	lr =	sadd.s32 s0, s3;
	s0 =	sld [smem:$0x3F93]  }
0x30: {  	s3 =	sld [smem:$0x3F96]  }
0x31: {  	[smem:$0x3F9F] =	sst s10  }
0x32: {  	s10 =	sld [smem:$0x3F9D];
	_ =	sdelay $0x3  }
0x33: {  	p0 =	seq.s32 s10, $0x1;
	s10 =	sld [smem:$0x3F9F];
	_ =	sdelay $0x3  }
0x34: {  	[smem:$0x3F9F] =	sst s10  }
0x35: {  	s10 =	sld [smem:$0x3F9E];
	_ =	sdelay $0x3  }
0x36: {  	p1 =	seq.s32 s10, $0x1;
	s10 =	sld [smem:$0x3F9F];
	_ =	sdelay $0x3  }
0x37: {  	[smem:$0x3F9F] =	sst s10  }
0x38: {  	s10 =	sld [smem:$0x3FA0]  }
0x39: {  	_ = 	snop;
	(pc) =	sbr.ind lr, $3  }
0x3a: {  	_ = 	snop  }
0x3b: {  	_ = 	snop  }
0x3c: {  	p2 =	seq.s32 s10, $0x1;
	s10 =	sld [smem:$0x3F9F]  }
0x3d: {  	_ =	shalt  }
0x3e: {  	_ =	shalt  }
0x3f: {  	_ =	shalt  }
0x40: {  	_ =	shalt  }
0x41: {  	_ =	shalt  }
0x42: {  	_ =	shalt  }
0x43: {  	_ =	shalt  }
0x44: {  	_ =	shalt  }
0x45: {  	_ =	shalt  }
0x46: {  	_ =	shalt  }
0x47: {  	_ =	shalt  }
0x48: {  	_ =	shalt  }
0x49: {  	_ =	shalt  }
0x4a: {  	_ =	shalt  }
0x4b: {  	_ =	shalt  }
0x4c: {  	_ =	shalt  }
0x4d: {  	_ =	shalt  }
0x4e: {  	_ =	shalt  }
0x4f: {  	_ =	shalt  }
0x50: {  	_ =	shalt  }
0x51: {  	_ =	shalt  }
0x52: {  	_ =	shalt  }
0x53: {  	_ =	shalt  }
0x54: {  	_ =	shalt  }
0x55: {  	_ =	shalt  }
0x56: {  	_ =	shalt  }
0x57: {  	_ =	shalt  }
0x58: {  	_ =	shalt  }
0x59: {  	_ =	shalt  }
0x5a: {  	_ =	shalt  }
0x5b: {  	_ =	shalt  }
0x5c: {  	_ =	shalt  }
0x5d: {  	_ =	shalt  }
0x5e: {  	_ =	shalt  }
0x5f: {  	_ =	shalt  }
0x60: {  	_ =	shalt  }
0x61: {  	_ =	shalt  }
0x62: {  	_ =	shalt  }
0x63: {  	_ =	shalt  }
0x64: {  	_ =	shalt  }
0x65: {  	_ =	shalt  }
0x66: {  	_ =	shalt  }
0x67: {  	_ =	shalt  }
0x68: {  	_ =	shalt  }
0x69: {  	_ =	shalt  }
0x6a: {  	_ =	shalt  }
0x6b: {  	_ =	shalt  }
0x6c: {  	_ =	shalt  }
0x6d: {  	_ =	shalt  }
0x6e: {  	_ =	shalt  }
0x6f: {  	_ =	shalt  }
0x70: {  	_ =	shalt  }
0x71: {  	_ =	shalt  }
0x72: {  	_ =	shalt  }
0x73: {  	_ =	shalt  }
0x74: {  	_ =	shalt  }
0x75: {  	_ =	shalt  }
0x76: {  	_ =	shalt  }
0x77: {  	_ =	shalt  }
0x78: {  	_ =	shalt  }
0x79: {  	_ =	shalt  }
0x7a: {  	_ =	shalt  }
0x7b: {  	_ =	shalt  }
0x7c: {  	_ =	shalt  }
0x7d: {  	_ =	shalt  }
0x7e: {  	_ =	shalt  }
0x7f: {  	_ =	shalt  }
0x80: {  	_ =	shalt  }
0x81: {  	_ =	shalt  }
0x82: {  	_ =	shalt  }
0x83: {  	_ =	shalt  }
0x84: {  	_ =	shalt  }
0x85: {  	_ =	shalt  }
0x86: {  	_ =	shalt  }
0x87: {  	_ =	shalt  }
.Lfunc_end0:
.L_simem_size_0:
called_computation.2_lowered:
.L_overlay_start_0:
0x88: {  	s2 =	sld [smem:$0x3FD9]  }
0x89: {  	s3 =	sld [smem:$0x3FFE];
	_ =	sdelay $0x1  }
0x8a: {  	s1 =	srdreg.scid  }
0x8b: {  	s0 =	sand.u32 $0x1, s1  }
0x8c: {  	s16 =	sshll.u32 s0, $0xA;
	s2 =	sadd.s32 s3, s2  }
0x8d: {  	s2 =	sadd.s32 s2, s16  }
0x8e: {  	[smem:$0x3FAB] =	sst s2  }
0x8f: {  	_ = 	snop  }
0x90: {  	(tm) =	ssettm $0x1  }
0x91: {  	s17 =	sld [smem:$0x3FFB];
	_ =	sdelay $0x3  }
0x92: {  	_ =	strace s17  }
0x93: {  	s2 =	sld [smem:$0x3FFC];
	_ =	sdelay $0x3  }
0x94: {  	_ =	strace s2  }
0x95: {  	s2 =	sld [smem:$0x3FFD];
	_ =	sdelay $0x3  }
0x96: {  	_ =	strace s2  }
0x97: {  	_ =	strace $0x8FFFFFFF  }
0x98: {  	s18 =	sld [smem:$0x3FDB];
	_ =	sdelay $0x1  }
0x99: {  	s19 =	simm.s32 $_scs_section_size  }
0x9a: {  	s4 =	simm.s32 $_size__tile_overlayer_lowered;
	s5 =	simm.s32 $_tile_overlayer_lowered  }
0x9b: {  	s22 =	simm.s32 $0x1BFF;
	s21 =	sshll.u32 s5, $0x1;
	s2 =	sadd.s32 s19, s18  }
0x9c: {  	s6 =	simm.s32 $0x0;
	s20 =	sshll.u32 s4, $0x1;
	s4 =	sadd.s32 s21, s2  }
0x9d: {  	[timem:s6], [sflag:s22] =	dma.local [hbm:s4], s20  }
0x9e: {  	_ =	swait.ge [sflag:s22], s20  }
0x9f: {  	s3 =	ssub.s32 $0x0, s20;
	[sflag:s22] =	ssyncset.done $0x0  }
0xa0: {  	[sflag:s22] =	ssyncadd.s32 s3;
	_ =	sdelay $0x1  }
0xa1: {  	s23 =	simm.s32 $0x1B8B  }
0xa2: {  	_ =	swait.ge [sflag:s23], $0x1  }
0xa3: {  	[sflag:s23] =	ssyncset.done $0x0  }
0xa4: {  	s25 =	simm.s32 $0x1B8E;
	s24 =	sld [smem:$0x3FFE];
	[sflag:s23] =	ssyncadd.s32 $0xFFFFFFFF  }
0xa5: {  	s26 =	simm.s32 $execute0_lowered;
	[smem:$0x3FD2] =	sst s25  }
0xa6: {  	s4 =	sshll.u32 s26, $0x1;
	_ =	strace $0x80000049;
	[dreg:$0x1] =	wrdreg $0xFFFFFFFF  }
0xa7: {  	s28 =	simm.s32 $_size_execute0_lowered;
	s2 =	sadd.s32 s2, s4;
	[dreg:$0x0] =	wrdreg $0x0  }
0xa8: {  	s4 =	sshll.u32 s28, $0x1;
	[dreg:$0x2] =	wrdreg s2  }
0xa9: {  	[dreg:$0x3] =	wrdreg s4  }
0xaa: {  	[dreg:$0x4] =	wrdreg $0xC0  }
0xab: {  	_ =	task [dreg:s6], $0x5FFFF  }
0xac: {  	[dreg:$0x1] =	wrdreg $0xFFFFFFFF  }
0xad: {  	[dreg:$0x0] =	wrdreg $0x60  }
0xae: {  	[dreg:$0x2] =	wrdreg s24  }
0xaf: {  	[dreg:$0x3] =	wrdreg $0x2E900  }
0xb0: {  	[dreg:$0x4] =	wrdreg $0xA  }
0xb1: {  	_ =	task.clear_ibuf [dreg:s6], $0x5FFFF;
	_ =	strace $0x90000049  }
0xb2: {  	s29 =	simm.s32 $0xA;
	_ =	strace $0x8000004B  }
0xb3: {  	_ =	swait.ge [sflag:s29], $0x1  }
0xb4: {  	[sflag:s29] =	ssyncadd.s32 $0xFFFFFFFF  }
0xb5: {  	_ =	strace $0x9000004B  }
0xb6: {  	_ =	sfence  }
0xb7: {  	s30 =	sld [smem:$0x0];
	_ =	sdelay $0x2  }
0xb8: {  	s31 =	sshll.u32 s1, $0xD;
	s1 =	sshrl.u32 s1, $0x2  }
0xb9: {  	s3 =	sand.u32 $0x4000, s31;
	s1 =	sadd.s32 s1, s30  }
0xba: {  	s0 =	sor.u32 s3, s0;
	s1 =	sshll.u32 s1, $0x11  }
0xbb: {  	s0 =	sor.u32 s1, s0  }
0xbc: {  	s0 =	sadd.s32 $0x8F2B, s0  }
0xbd: {  	[sflag:s0] =	ssyncadd.remote.s32 $0x1  }
0xbe: {  	_ =	sfence.sel $0xFFFF  }
0xbf: {  	[dreg:$0x0] =	wrdreg $0xFFFFFFFF;
	(pc) =	sbr.abs _section_cstart, $3  }
0xc0: {  	[dreg:$0x1] =	wrdreg $0xFFFFFFFF  }
0xc1: {  	_ =	task.clear_ibuf [dreg:s6], $0x2FFFF;
	_ =	strace $0x9FFFFFFF  }
0xc2: {  	(tm) =	ssettm $0x7FFFFFFF  }
0xc3: {  	_ =	shalt  }
tec
execute0_lowered:
.L_overlay_start_1:
0x0: {  	(tag) =	ssettag $0x1  }
0x1: {  	s0 =	srdreg.scid;
	s1 =	rddreg [dreg:$0x0]  }
0x2: {  	s17 =	stileid.u32;
	s2 =	rddreg [dreg:$0x1]  }
0x3: {  	s19 =	simm.s32 $0x1;
	s20 =	simm.s32 $0x50;
	s21 =	simm.s32 $0x2  }
0x4: {  	s0 =	sand.u32 $0x1, s0;
	s3 =	sshll.u32 s17, $0x1;
	s9 =	smul.u32 $0x1380, s17  }
0x5: {  	s11 =	sadd.s32 $0xFA00, s1;
	s13 =	sadd.s32 $0x60400, s1;
	s30 =	smul.u32 $0x4E20, s17  }
0x6: {  	s16 =	sadd.s32 $0x12480, s2;
	s4 =	sor.u32 s0, s3;
	s26 =	smul.u32 $0x13880, s0  }
0x7: {  	s3 =	simm.s32 $0x0;
	s8 =	ssub.s32 $0x2, s0;
	s0 =	smul.u32 $0x2710, s0  }
0x8: {  	p0 =	seq.s32 s17, $0xF;
	s7 =	smul.u32 $0x2710, s4;
	[smem:$0x7FF] =	sst s3  }
0x9: {  	s22 =	sshrl.u32 s9, $0x3;
	s10 =	sshrl.u32 s8, $0x1;
	s12 =	smul.u32 $0x13880, s4  }
0xa: {  	s15 =	sadd.s32 s9, s2;
	s31 =	sadd.s32 s30, s11;
	_ =	strace $0x8000004A  }
0xb: {  	s14 =	ssub.s32 s8, s10;
	s28 =	sadd.s32 s9, s26;
	s29 =	sshrl.u32 s26, $0x3  }
0xc: {  	s0 =	sadd.s32 s0, s31;
	s15 =	sshrl.u32 @!p0 s15, $0x3;
	s5 =	sshrl.u32 s7, $0x3  }
0xd: {  	s24 =	sshrl.u32 s12, $0x3;
	s7 =	sadd.s32 s11, s7;
	s10 =	sadd.s32 s13, s29  }
0xe: {  	s12 =	sadd.s32 $0xA0, s0;
	s0 =	sshll.u32 @!p0 s17, $0x6;
	s6 =	sadd.s32 s5, s1  }
0xf: {  	s5 =	sadd.s32 s22, s1;
	s25 =	sadd.s32 s11, s24;
	s10 =	sadd.s32 $0x2490, s10  }
0x10: {  	s11 =	smax.u32 s14, $0x1;
	s14 =	sor.u32 @!p0 $0x1C03, s0;
	s22 =	simm.s32 $0x0  }
0x11: {  	s23 =	sadd.s32 $0x5DC00, s5;
	s5 =	sadd.s32 $0x60090, s1;
	s6 =	sadd.s32 $0x5C00, s6  }
0x12: {  	s8 =	sadd.s32 $0x50, s25;
	s1 =	sshrl.u32 s28, $0x3;
	[dreg:$0x3] =	wrdreg s23  }
0x13: {  	s9 =	sadd.s32 s13, s1;
	s13 =	sshrl.u32 @p0 s16, $0x3;
	s16 =	simm.s32 $0x3  }
.LBB2_1:
0x14: {  	s0 =	simm.s32 @p0 $0x1FC3  }
0x15: {  	[spmem:s13], [sflag:s0] =	dma.local @p0 [hbm:s5], $0x280  }
0x16: {  	s0 =	simm.s32 @p0 $0x3  }
0x17: {  	_ =	swait.ge @p0 [sflag:s0], $0x280  }
0x18: {  	[sflag:s0] =	ssyncset.done @p0 $0x0  }
0x19: {  	s25 =	simm.s32 $0x2710;
	[sflag:s0] =	ssyncadd.s32 @p0 $0xFFFFFD80;
	s0 =	rddreg [dreg:$0x3]  }
0x1a: {  	[spmem:s15], [sflag:s14] =	dma.local @!p0 [hbm:s0], $0x270  }
0x1b: {  	s26 =	simm.s32 $0x2990;
	p1 =	por $0x0, $0x0;
	s0 =	simm.s32 @!p0 $0x3  }
0x1c: {  	s1 =	smul.u32 $0xAB, s3;
	s24 =	sadd.s32 $0x50, s12;
	_ =	swait.ge @!p0 [sflag:s0], $0x270  }
0x1d: {  	p3 =	por $0x0, $0x0;
	s23 =	simm.s32 $0x50;
	[sflag:s0] =	ssyncset.done @!p0 $0x0  }
0x1e: {  	s1 =	sshrl.u32 s1, $0x9;
	[sflag:s0] =	ssyncadd.s32 @!p0 $0xFFFFFD90;
	s0 =	simm.s32 $0x2  }
0x1f: {  	[tilespmem:s3], [sflag:$0x3] =	stream.linear.gather [hbm4b:s6+s3], $0x2710, $0x38;
	[tilespmem:$0x4218] =	vst v63  }
0x20: {  	s30 =	simm.s32 $0x3;
	s1 =	sand.u32 $0x7F, s1;
	s0 =	smul.u32 @!p1 $0xAB, s0  }
0x21: {  	s1 =	smul.u32 $0x3, s1;
	p1 =	por p1, p1;
	_ =	swait.ge [sflag:s16], $0x2710  }
0x22: {  	s29 =	smov.u32 s12;
	[sflag:s16] =	ssyncset.done $0x0;
	s0 =	sshrl.u32 @!p1 s0, $0x9  }
0x23: {  	s1 =	ssub.s32 $0x0, s1;
	[sflag:s16] =	ssyncadd.s32 $0xFFFFD8F0;
	s0 =	sand.u32 @!p1 $0x7F, s0  }
0x24: {  	s1 =	sand.u32 $0xFF, s1;
	[bflag:$0x0] =	sbarrier.arrive $0xFFFF;
	s0 =	smul.u32 @!p1 $0x3, s0  }
0x25: {  	[tilespmem:s25], [sflag:$0x1] =	stream.linear.gather [hbm4b:s7+s3], $0x280, $0x38;
	[tilespmem:$0x4218] =	vst v63  }
0x26: {  	s28 =	smul.u32 $0xA00, s1;
	p2 =	por @!p1 $0x1, $0x1;
	s0 =	ssub.s32 @!p1 $0x2, s0  }
0x27: {  	[tilespmem:s26], [sflag:$0x1] =	stream.linear.gather [hbm4b:s8+s3], $0x280, $0x38;
	[tilespmem:$0x4218] =	vst v63  }
0x28: {  	s1 =	smul.u32 @!p3 $0xAB, s30;
	p2 =	por p2, p1;
	s0 =	sand.u32 @!p1 $0xFF, s0  }
0x29: {  	s31 =	sshrl.u32 s28, $0x2;
	s17 =	simm.s32 @!p2 $0x2;
	s0 =	smul.u32 @!p1 $0xA00, s0  }
0x2a: {  	s28 =	simm.s32 $0x0;
	s25 =	simm.s32 $0x1;
	_ =	swait.ge @!p2 [sflag:s17], $0x280  }
0x2b: {  	s26 =	simm.s32 $0x2;
	[sflag:s17] =	ssyncset.done @!p2 $0x0;
	s0 =	sshrl.u32 @!p1 s0, $0x2  }
0x2c: {  	[sflag:s17] =	ssyncadd.s32 @!p2 $0xFFFFFD80;
	s17 =	simm.s32 @!p1 $0x0;
	s0 =	sadd.s32 @!p1 $0x2710, s0  }
.LBB2_2:
0x2d: {  	[tilespmem:s0], [sflag:$0x1] =	stream.linear.gather @!p1 [hbm4b:s29+s17], $0x280, $0x38;
	[tilespmem:$0x4218] =	vst v63  }
0x2e: {  	s0 =	smov.u32 s26  }
0x2f: {  	s29 =	smov.u32 s24;
	s17 =	smov.u32 s28;
	p1 =	por p3, p3  }
0x30: {  	s31 =	sadd.s32 $0x2710, s31;
	s1 =	sshrl.u32 @!p1 s1, $0x9;
	_ =	swait.ge [sflag:s19], $0x280  }
0x31: {  	s28 =	smul.u32 $0xAB, s25;
	s1 =	sand.u32 @!p1 $0x7F, s1;
	[sflag:s19] =	ssyncset.done $0x0  }
0x32: {  	s26 =	sadd.s32 $0x1, s26;
	s1 =	smul.u32 @!p1 $0x3, s1;
	[sflag:s19] =	ssyncadd.s32 $0xFFFFFD80  }
0x33: {  	p2 =	sne.s32 s26, $0x7D;
	s18 =	sshrl.u32 s28, $0x9;
	s28 =	smov.u32 s23  }
0x34: {  	p3 =	seq.s32 @!p1 s25, $0x0;
	s18 =	sand.u32 $0x7F, s18;
	s1 =	ssub.s32 @!p1 s30, s1  }
0x35: {  	p4 =	por p3, p1;
	s18 =	smul.u32 $0x3, s18;
	s1 =	sand.u32 @!p1 $0xFF, s1  }
0x36: {  	s4 =	simm.s32 @!p4 $0x2;
	s1 =	smul.u32 @!p1 $0xA00, s1  }
0x37: {  	s18 =	ssub.s32 s25, s18;
	s25 =	smov.u32 s0  }
0x38: {  	s0 =	sand.u32 $0xFF, s18;
	s1 =	sshrl.u32 @!p1 s1, $0x2  }
0x39: {  	[spmem:s2] =	stream.indirect.scatter.add.f32 [tilespmem:s31], [sflag:$0x2], $0x8, s17, s20, $0xb8;
	[tilespmem:$0x4218] =	vst v63  }
.Ltmp0:
0x3a: {  	_ = 	snop;
	(pc) =	sbr.rel @p2 .LBB2_2-.Ltmp0, $4  }
0x3b: {  	s24 =	sadd.s32 $0x50, s24;
	s18 =	smul.u32 $0xA00, s0;
	_ =	swait.ge @!p4 [sflag:s4], $0x280  }
0x3c: {  	s23 =	sadd.s32 $0x50, s23;
	p3 =	sgt.u32 s25, $0x7A;
	[sflag:s4] =	ssyncset.done @!p4 $0x0  }
0x3d: {  	s30 =	sadd.s32 $0x2, s25;
	s0 =	sadd.s32 @!p1 $0x2710, s1;
	[sflag:s4] =	ssyncadd.s32 @!p4 $0xFFFFFD80  }
0x3e: {  	s1 =	smul.u32 @!p3 $0xAB, s30;
	s17 =	simm.s32 @!p1 $0x0;
	s31 =	sshrl.u32 s18, $0x2  }
0x3f: {  	[tilespmem:s0], [sflag:$0x1] =	stream.linear.gather @!p1 [hbm4b:s29+s17], $0x280, $0x38;
	[tilespmem:$0x4218] =	vst v63  }
0x40: {  	p1 =	por p3, p3  }
0x41: {  	s29 =	smul.u32 $0xAB, s25;
	s0 =	sshrl.u32 @!p1 s1, $0x9;
	_ =	swait.ge [sflag:s19], $0x280  }
0x42: {  	s4 =	sadd.s32 $0x2710, s31;
	s0 =	sand.u32 @!p1 $0x7F, s0;
	[sflag:s19] =	ssyncset.done $0x0  }
0x43: {  	s1 =	sshrl.u32 s29, $0x9;
	s0 =	smul.u32 @!p1 $0x3, s0;
	[sflag:s19] =	ssyncadd.s32 $0xFFFFFD80  }
0x44: {  	[spmem:s2] =	stream.indirect.scatter.add.f32 [tilespmem:s4], [sflag:$0x2], $0x8, s28, s20, $0xb8;
	[tilespmem:$0x4218] =	vst v63  }
0x45: {  	p2 =	seq.s32 @!p1 s25, $0x0;
	s1 =	sand.u32 $0x7F, s1;
	s0 =	ssub.s32 @!p1 s30, s0  }
0x46: {  	p2 =	por p2, p1;
	s1 =	smul.u32 $0x3, s1;
	s0 =	sand.u32 @!p1 $0xFF, s0  }
0x47: {  	s17 =	simm.s32 @!p2 $0x2;
	s0 =	smul.u32 @!p1 $0xA00, s0  }
0x48: {  	s4 =	simm.s32 @!p1 $0x0;
	_ =	swait.ge @!p2 [sflag:s17], $0x280;
	s1 =	ssub.s32 s25, s1  }
0x49: {  	[sflag:s17] =	ssyncset.done @!p2 $0x0;
	s1 =	sand.u32 $0xFF, s1;
	s0 =	sshrl.u32 @!p1 s0, $0x2  }
0x4a: {  	[sflag:s17] =	ssyncadd.s32 @!p2 $0xFFFFFD80;
	s1 =	smul.u32 $0xA00, s1;
	s0 =	sadd.s32 @!p1 $0x2710, s0  }
0x4b: {  	[tilespmem:s0], [sflag:$0x1] =	stream.linear.gather @!p1 [hbm4b:s24+s4], $0x280, $0x38;
	[tilespmem:$0x4218] =	vst v63  }
0x4c: {  	_ =	swait.ge [sflag:s19], $0x280  }
0x4d: {  	s31 =	sshrl.u32 s1, $0x2;
	[sflag:s19] =	ssyncset.done $0x0  }
0x4e: {  	s0 =	sadd.s32 $0x2710, s31;
	[sflag:s19] =	ssyncadd.s32 $0xFFFFFD80  }
0x4f: {  	[spmem:s2] =	stream.indirect.scatter.add.f32 [tilespmem:s0], [sflag:$0x2], $0x8, s23, s20, $0xb8;
	[tilespmem:$0x4218] =	vst v63  }
0x50: {  	_ =	swait.ge [sflag:s21], $0x280  }
0x51: {  	[sflag:s21] =	ssyncset.done $0x0  }
0x52: {  	[sflag:s21] =	ssyncadd.s32 $0xFFFFFD80  }
0x53: {  	_ =	swait.ge [sflag:s21], $0x280  }
0x54: {  	[sflag:s21] =	ssyncset.done $0x0  }
0x55: {  	[sflag:s21] =	ssyncadd.s32 $0xFFFFFD80  }
0x56: {  	_ =	swait.ge [sflag:s21], $0x280  }
0x57: {  	[sflag:s21] =	ssyncset.done $0x0  }
0x58: {  	[sflag:s21] =	ssyncadd.s32 $0xFFFFFD80  }
0x59: {  	s0 =	simm.s32 @p0 $0x1FC3;
	[bflag:$0x0] =	sbarrier.arrive $0xFFFF  }
0x5a: {  	[hbm:s10], [sflag:s0] =	dma.local @p0 [spmem:s13], $0x280  }
0x5b: {  	s0 =	simm.s32 @p0 $0x3  }
0x5c: {  	s22 =	sadd.s32 $0x1, s22;
	_ =	swait.ge @p0 [sflag:s0], $0x280  }
0x5d: {  	p1 =	sne.s32 s22, s11;
	[sflag:s0] =	ssyncset.done @p0 $0x0  }
.Ltmp1:
0x5e: {  	[sflag:s0] =	ssyncadd.s32 @p0 $0xFFFFFD80;
	s0 =	simm.s32 @!p0 $0x3;
	(pc) =	sbr.rel @p1 .LBB2_1-.Ltmp1, $4  }
0x5f: {  	[hbm:s9], [sflag:s14] =	dma.local @!p0 [spmem:s15], $0x270  }
0x60: {  	_ =	swait.ge @!p0 [sflag:s0], $0x270  }
0x61: {  	[sflag:s0] =	ssyncset.done @!p0 $0x0  }
0x62: {  	[sflag:s0] =	ssyncadd.s32 @!p0 $0xFFFFFD90  }
0x63: {  	_ =	sfence.sel $0x180000  }
0x64: {  	[bflag:$0x0] =	sbarrier.arrive $0xFFFF  }
0x65: {  	_ =	strace $0x9000004A  }
0x66: {  	s0 =	stileid.u32;
	[bflag:$0x2] =	sbarrier.arrive $0xFFFF  }
0x67: {  	p0 =	sne.s32 s0, $0x0;
	s0 =	rddreg [dreg:$0x2]  }
0x68: {  	s0 =	sadd.s32 @!p0 $0x100000, s0  }
0x69: {  	[sflag:s0] =	ssyncadd.tile.s32 @!p0 $0x1;
	_ =	shalt  }
.Lfunc_end2:
_tile_overlayer_lowered:
.L_overlay_start_2:
0x6a: {  	(tag) =	ssettag $0x2  }
0x6b: {  	s0 =	rddreg [dreg:$0x0];
	s2 =	stileid.u32  }
0x6c: {  	s1 =	rddreg [dreg:$0x1];
	p0 =	sne.s32 s2, $0x0  }
0x6d: {  	s3 =	rddreg [dreg:$0x2];
	[bflag:$0x3] =	sbarrier.arrive $0xFFFF;
	s2 =	simm.s32 @!p0 $0x1C03  }
0x6e: {  	[timem:s3], [sflag:s2] =	dma.local @!p0 [hbm:s0], s1  }
0x6f: {  	s0 =	simm.s32 @!p0 $0x3  }
0x70: {  	_ =	swait.ge @!p0 [sflag:s0], s1  }
0x71: {  	s1 =	ssub.s32 @!p0 $0x0, s1;
	[sflag:s0] =	ssyncset.done @!p0 $0x0  }
0x72: {  	[sflag:s0] =	ssyncadd.s32 @!p0 s1  }
0x73: {  	[bflag:$0x3] =	sbarrier.arrive $0xFFFF  }
0x74: {  	_ =	shalt  }

// kernel: kernel.9.cloned.1.call-start
scs
__scs_entry_jumppad:
0x0: {  	(pc) =	sbr.rel $0x88, $3  }
0x1: {  	(tag) =	ssettag $0x0;
	lr =	simm.s32 $0x1  }
0x2: {  	[smem:$0x3F84] =	sst lr;
	_ =	strace $0xD0000000  }
0x3: {  	_ = 	snop  }
0x4: {  	_ = 	snop  }
0x5: {  	_ = 	snop  }
0x6: {  	_ = 	snop  }
0x7: {  	_ = 	snop  }
__scs_overlays_trampoline_lowered:
0x8: {  	[smem:$0x3F93] =	sst s0  }
0x9: {  	[smem:$0x3F94] =	sst s1  }
0xa: {  	[smem:$0x3F95] =	sst s2  }
0xb: {  	[smem:$0x3F96] =	sst s3  }
0xc: {  	[smem:$0x3F97] =	sst s4  }
0xd: {  	[smem:$0x3F98] =	sst s5  }
0xe: {  	[smem:$0x3F99] =	sst s6  }
0xf: {  	[smem:$0x3F9A] =	sst s7  }
0x10: {  	[smem:$0x3F9B] =	sst s8  }
0x11: {  	[smem:$0x3F9C] =	sst s9;
	s0 =	simm.s32 @!p0 $0x0  }
0x12: {  	s1 =	sld [smem:$0x3F82];
	s0 =	simm.s32 @p0 $0x1  }
0x13: {  	[smem:$0x3F9D] =	sst s0;
	s0 =	simm.s32 @!p1 $0x0  }
0x14: {  	s2 =	sld [smem:$0x3F81];
	s0 =	simm.s32 @p1 $0x1  }
0x15: {  	[smem:$0x3F9E] =	sst s0;
	s0 =	simm.s32 @!p2 $0x0  }
0x16: {  	s3 =	sld [smem:$0x3FDB];
	s0 =	simm.s32 @p2 $0x1  }
0x17: {  	s4 =	simm.s32 $0x1BF5;
	[smem:$0x3FA0] =	sst s0  }
0x18: {  	s0 =	sld [smem:$0x3F83];
	_ =	swait.ge [sflag:s4], $0x0  }
0x19: {  	s7 =	sld [smem:$0x3F84]  }
0x1a: {  	s8 =	sadd.s32 $0xFFFFE003, lr  }
0x1b: {  	s9 =	sadd.s32 $0xFFFFFEF7, lr;
	s5 =	simm.s32 $0xFFFFFFFF;
	p2 =	slt.u32 s8, $0xFFFFF086  }
0x1c: {  	p1 =	slt.u32 s9, $0xF7A;
	s5 =	simm.s32 @!p2 $0x0  }
0x1d: {  	s5 =	simm.s32 @p1 $0x1;
	p0 =	seq.s32 s7, s2  }
0x1e: {  	s7 =	smul.u32 @!p0 $0xF7A, s2;
	p2 =	seq.s32 @!p0 s5, $0x0  }
0x1f: {  	s9 =	smul.u32 $0xF7A, s1;
	s8 =	simm.s32 @!p0 $0x1BF5;
	p2 =	por !p2, p0  }
0x20: {  	[sflag:s8] =	ssyncset.s32 @!p0 $0xFFFFF086;
	s6 =	sadd.s32 @!p0 s3, s7;
	s7 =	simm.s32 @!p0 $0x108  }
0x21: {  	s3 =	sadd.s32 s3, s9;
	s6 =	sadd.s32 @!p0 $0x88, s6;
	s7 =	simm.s32 @p2 $0x1082  }
0x22: {  	[simem:s7], [sflag:s8] =	dma.local @!p0 [hbm:s6], $0xF7A  }
0x23: {  	s9 =	sor.u32 $0xD0000000, s2;
	s6 =	simm.s32 $0x108;
	_ =	swait.ge @!p0 [sflag:s8], $0x0  }
0x24: {  	s3 =	sadd.s32 $0x88, s3;
	s6 =	simm.s32 @!p1 $0x1082;
	[sflag:s4] =	ssyncset.s32 $0xFFFFF086  }
0x25: {  	[simem:s6], [sflag:s4] =	dma.local [hbm:s3], $0xF7A  }
0x26: {  	[smem:$0x3F84] =	sst s1;
	(tag) =	ssettag s2;
	_ =	strace s9  }
0x27: {  	s1 =	sld [smem:$0x3F94]  }
0x28: {  	s2 =	sld [smem:$0x3F95]  }
0x29: {  	s4 =	sld [smem:$0x3F97]  }
0x2a: {  	p0 =	seq.s32 s5, $0x0;
	s5 =	sld [smem:$0x3F98]  }
0x2b: {  	s6 =	sld [smem:$0x3F99]  }
0x2c: {  	s7 =	sld [smem:$0x3F9A]  }
0x2d: {  	s3 =	simm.s32 $0x108;
	s8 =	sld [smem:$0x3F9B]  }
0x2e: {  	s3 =	simm.s32 @!p0 $0x1082;
	s9 =	sld [smem:$0x3F9C]  }
0x2f: {  	lr =	sadd.s32 s0, s3;
	s0 =	sld [smem:$0x3F93]  }
0x30: {  	s3 =	sld [smem:$0x3F96]  }
0x31: {  	[smem:$0x3F9F] =	sst s10  }
0x32: {  	s10 =	sld [smem:$0x3F9D];
	_ =	sdelay $0x3  }
0x33: {  	p0 =	seq.s32 s10, $0x1;
	s10 =	sld [smem:$0x3F9F];
	_ =	sdelay $0x3  }
0x34: {  	[smem:$0x3F9F] =	sst s10  }
0x35: {  	s10 =	sld [smem:$0x3F9E];
	_ =	sdelay $0x3  }
0x36: {  	p1 =	seq.s32 s10, $0x1;
	s10 =	sld [smem:$0x3F9F];
	_ =	sdelay $0x3  }
0x37: {  	[smem:$0x3F9F] =	sst s10  }
0x38: {  	s10 =	sld [smem:$0x3FA0]  }
0x39: {  	_ = 	snop;
	(pc) =	sbr.ind lr, $3  }
0x3a: {  	_ = 	snop  }
0x3b: {  	_ = 	snop  }
0x3c: {  	p2 =	seq.s32 s10, $0x1;
	s10 =	sld [smem:$0x3F9F]  }
0x3d: {  	_ =	shalt  }
0x3e: {  	_ =	shalt  }
0x3f: {  	_ =	shalt  }
0x40: {  	_ =	shalt  }
0x41: {  	_ =	shalt  }
0x42: {  	_ =	shalt  }
0x43: {  	_ =	shalt  }
0x44: {  	_ =	shalt  }
0x45: {  	_ =	shalt  }
0x46: {  	_ =	shalt  }
0x47: {  	_ =	shalt  }
0x48: {  	_ =	shalt  }
0x49: {  	_ =	shalt  }
0x4a: {  	_ =	shalt  }
0x4b: {  	_ =	shalt  }
0x4c: {  	_ =	shalt  }
0x4d: {  	_ =	shalt  }
0x4e: {  	_ =	shalt  }
0x4f: {  	_ =	shalt  }
0x50: {  	_ =	shalt  }
0x51: {  	_ =	shalt  }
0x52: {  	_ =	shalt  }
0x53: {  	_ =	shalt  }
0x54: {  	_ =	shalt  }
0x55: {  	_ =	shalt  }
0x56: {  	_ =	shalt  }
0x57: {  	_ =	shalt  }
0x58: {  	_ =	shalt  }
0x59: {  	_ =	shalt  }
0x5a: {  	_ =	shalt  }
0x5b: {  	_ =	shalt  }
0x5c: {  	_ =	shalt  }
0x5d: {  	_ =	shalt  }
0x5e: {  	_ =	shalt  }
0x5f: {  	_ =	shalt  }
0x60: {  	_ =	shalt  }
0x61: {  	_ =	shalt  }
0x62: {  	_ =	shalt  }
0x63: {  	_ =	shalt  }
0x64: {  	_ =	shalt  }
0x65: {  	_ =	shalt  }
0x66: {  	_ =	shalt  }
0x67: {  	_ =	shalt  }
0x68: {  	_ =	shalt  }
0x69: {  	_ =	shalt  }
0x6a: {  	_ =	shalt  }
0x6b: {  	_ =	shalt  }
0x6c: {  	_ =	shalt  }
0x6d: {  	_ =	shalt  }
0x6e: {  	_ =	shalt  }
0x6f: {  	_ =	shalt  }
0x70: {  	_ =	shalt  }
0x71: {  	_ =	shalt  }
0x72: {  	_ =	shalt  }
0x73: {  	_ =	shalt  }
0x74: {  	_ =	shalt  }
0x75: {  	_ =	shalt  }
0x76: {  	_ =	shalt  }
0x77: {  	_ =	shalt  }
0x78: {  	_ =	shalt  }
0x79: {  	_ =	shalt  }
0x7a: {  	_ =	shalt  }
0x7b: {  	_ =	shalt  }
0x7c: {  	_ =	shalt  }
0x7d: {  	_ =	shalt  }
0x7e: {  	_ =	shalt  }
0x7f: {  	_ =	shalt  }
0x80: {  	_ =	shalt  }
0x81: {  	_ =	shalt  }
0x82: {  	_ =	shalt  }
0x83: {  	_ =	shalt  }
0x84: {  	_ =	shalt  }
0x85: {  	_ =	shalt  }
0x86: {  	_ =	shalt  }
0x87: {  	_ =	shalt  }
.Lfunc_end0:
.L_simem_size_0:
called_computation_lowered:
.L_overlay_start_0:
0x88: {  	s2 =	sld [smem:$0x3FD9]  }
0x89: {  	s3 =	sld [smem:$0x3FFE];
	_ =	sdelay $0x1  }
0x8a: {  	s1 =	srdreg.scid  }
0x8b: {  	s0 =	sand.u32 $0x1, s1  }
0x8c: {  	s17 =	sshll.u32 s0, $0xA;
	s2 =	sadd.s32 s3, s2  }
0x8d: {  	s2 =	sadd.s32 s2, s17  }
0x8e: {  	[smem:$0x3FAB] =	sst s2  }
0x8f: {  	_ = 	snop  }
0x90: {  	s2 =	sld [smem:$0x3FD0];
	(tm) =	ssettm $0x1  }
0x91: {  	s18 =	sld [smem:$0x3FFB];
	_ =	sdelay $0x3  }
0x92: {  	_ =	strace s18  }
0x93: {  	s3 =	sld [smem:$0x3FFC];
	_ =	sdelay $0x3  }
0x94: {  	_ =	strace s3  }
0x95: {  	s3 =	sld [smem:$0x3FFD];
	_ =	sdelay $0x3  }
0x96: {  	_ =	strace s3  }
0x97: {  	_ =	strace $0x8FFFFFFF  }
0x98: {  	s19 =	sld [smem:$0x3FDB];
	_ =	sdelay $0x1  }
0x99: {  	s4 =	simm.s32 $_scs_section_size  }
0x9a: {  	s5 =	simm.s32 $_size__tile_overlayer_lowered;
	s6 =	simm.s32 $_tile_overlayer_lowered  }
0x9b: {  	s22 =	simm.s32 $0x1BFF;
	s21 =	sshll.u32 s6, $0x1;
	s3 =	sadd.s32 s4, s19  }
0x9c: {  	s7 =	simm.s32 $0x0;
	s20 =	sshll.u32 s5, $0x1;
	s5 =	sadd.s32 s21, s3  }
0x9d: {  	[timem:s7], [sflag:s22] =	dma.local [hbm:s5], s20  }
0x9e: {  	_ =	swait.ge [sflag:s22], s20  }
0x9f: {  	s4 =	ssub.s32 $0x0, s20;
	[sflag:s22] =	ssyncset.done $0x0  }
0xa0: {  	[sflag:s22] =	ssyncadd.s32 s4;
	_ =	sdelay $0x1  }
0xa1: {  	s23 =	simm.s32 $0x1B8B  }
0xa2: {  	_ =	swait.ge [sflag:s23], $0x1  }
0xa3: {  	[sflag:s23] =	ssyncset.done $0x0  }
0xa4: {  	s25 =	simm.s32 $0x1B8E;
	s24 =	sld [smem:$0x3FFE];
	[sflag:s23] =	ssyncadd.s32 $0xFFFFFFFF  }
0xa5: {  	s26 =	simm.s32 $execute0_lowered;
	[smem:$0x3FD2] =	sst s25  }
0xa6: {  	s5 =	sshll.u32 s26, $0x1;
	_ =	strace $0x80000046;
	[dreg:$0x1] =	wrdreg $0xFFFFFFFF  }
0xa7: {  	s28 =	simm.s32 $_size_execute0_lowered;
	s3 =	sadd.s32 s3, s5;
	[dreg:$0x0] =	wrdreg $0x0  }
0xa8: {  	s5 =	sshll.u32 s28, $0x1;
	[dreg:$0x2] =	wrdreg s3  }
0xa9: {  	[dreg:$0x3] =	wrdreg s5  }
0xaa: {  	[dreg:$0x4] =	wrdreg $0xC0  }
0xab: {  	_ =	task [dreg:s7], $0x5FFFF  }
0xac: {  	[dreg:$0x1] =	wrdreg $0xFFFFFFFF  }
0xad: {  	[dreg:$0x0] =	wrdreg $0x60  }
0xae: {  	[dreg:$0x2] =	wrdreg s2  }
0xaf: {  	[dreg:$0x3] =	wrdreg s24  }
0xb0: {  	[dreg:$0x4] =	wrdreg $0x9  }
0xb1: {  	_ =	task.clear_ibuf [dreg:s7], $0x5FFFF;
	_ =	strace $0x90000046  }
0xb2: {  	s29 =	simm.s32 $0x9;
	_ =	strace $0x80000048  }
0xb3: {  	_ =	swait.ge [sflag:s29], $0x1  }
0xb4: {  	[sflag:s29] =	ssyncadd.s32 $0xFFFFFFFF  }
0xb5: {  	_ =	strace $0x90000048  }
0xb6: {  	_ =	sfence  }
0xb7: {  	s30 =	sld [smem:$0x0];
	_ =	sdelay $0x2  }
0xb8: {  	s31 =	sshll.u32 s1, $0xD;
	s1 =	sshrl.u32 s1, $0x2  }
0xb9: {  	s3 =	sand.u32 $0x4000, s31;
	s1 =	sadd.s32 s1, s30  }
0xba: {  	s0 =	sor.u32 s3, s0;
	s1 =	sshll.u32 s1, $0x11  }
0xbb: {  	s0 =	sor.u32 s1, s0  }
0xbc: {  	s0 =	sadd.s32 $0x8F2B, s0  }
0xbd: {  	[sflag:s0] =	ssyncadd.remote.s32 $0x1  }
0xbe: {  	_ =	sfence.sel $0xFFFF  }
0xbf: {  	[dreg:$0x0] =	wrdreg $0xFFFFFFFF;
	(pc) =	sbr.abs _section_cstart, $3  }
0xc0: {  	[dreg:$0x1] =	wrdreg $0xFFFFFFFF  }
0xc1: {  	_ =	task.clear_ibuf [dreg:s7], $0x2FFFF;
	_ =	strace $0x9FFFFFFF  }
0xc2: {  	(tm) =	ssettm $0x7FFFFFFF  }
0xc3: {  	_ =	shalt  }
tec
execute0_lowered:
.L_overlay_start_1:
0x0: {  	(tag) =	ssettag $0x1  }
0x1: {  	s0 =	srdreg.scid;
	s2 =	rddreg [dreg:$0x0]  }
0x2: {  	s7 =	stileid.u32;
	s5 =	rddreg [dreg:$0x1];
	s3 =	simm.s32 $0x0  }
0x3: {  	s12 =	simm.s32 $0x50;
	s28 =	simm.s32 $0x12700;
	s29 =	simm.s32 $0x12F00  }
0x4: {  	s30 =	simm.s32 $0x13700;
	s31 =	simm.s32 $0x13F00;
	s11 =	simm.s32 $0x15700  }
0x5: {  	s13 =	simm.s32 $0x15F00;
	s14 =	simm.s32 $0x1;
	s15 =	simm.s32 $0x2  }
0x6: {  	s16 =	simm.s32 $0x0;
	s0 =	sand.u32 $0x1, s0;
	s6 =	smul.u32 $0x4E200, s7  }
0x7: {  	s1 =	sshll.u32 s7, $0x1;
	[smem:$0x7FF] =	sst s3;
	s7 =	smul.u32 $0x9C400, s7  }
0x8: {  	s4 =	sadd.s32 $0x19800, s5;
	s1 =	sor.u32 s0, s1;
	s9 =	smul.u32 $0x4E200, s0  }
0x9: {  	_ =	strace $0x80000047;
	s23 =	ssub.s32 $0x2, s0;
	s0 =	smul.u32 $0x27100, s0  }
0xa: {  	s1 =	smul.u32 $0x2710, s1;
	s8 =	sadd.s32 s6, s5;
	s24 =	sshrl.u32 s23, $0x1  }
.Ltmp0:
0xb: {  	s10 =	sadd.s32 s7, s5;
	s25 =	ssub.s32 s23, s24;
	(pc) =	sbr.rel .LBB2_1-.Ltmp0, $4  }
0xc: {  	s26 =	sadd.s32 s9, s10;
	s0 =	sadd.s32 s0, s8;
	s10 =	simm.s32 $0x3  }
0xd: {  	v2 =	vlaneseq.u32;
	s1 =	sshrl.u32 s1, $0x3;
	s7 =	smax.u32 s25, $0x1;
	s20 =	sadd.s32 $0x570C00, s26  }
0xe: {  	vm0 =	vmmov $0xffff;
	v1 =	vshrl.u32 v2, $0x3;
	s19 =	sadd.s32 $0x8EC00, s0;
	s0 =	simm.s32 $0x14F00;
	s1 =	sadd.s32 s1, s5  }
0xf: {  	v0 =	vand.u32 $0x7, v2;
	v2 =	vor.u32 $0x8, v2;
	v1 =	vmul.u32 $0x8, v1;
	s5 =	sadd.s32 $0x5C00, s1;
	s6 =	sadd.s32 $0xFA00, s1;
	s1 =	simm.s32 $0x14700  }
.LBB2_5:
0x10: {  	_ =	swait.ge [sflag:s15], $0x2800  }
0x11: {  	[sflag:s15] =	ssyncset.done $0x0  }
0x12: {  	[sflag:s15] =	ssyncadd.s32 $0xFFFFD800  }
0x13: {  	_ =	swait.ge [sflag:s15], $0x5000  }
0x14: {  	[sflag:s15] =	ssyncset.done $0x0  }
0x15: {  	[sflag:s15] =	ssyncadd.s32 $0xFFFFB000  }
0x16: {  	_ =	swait.ge [sflag:s15], $0x2800  }
0x17: {  	[sflag:s15] =	ssyncset.done $0x0  }
0x18: {  	[sflag:s15] =	ssyncadd.s32 $0xFFFFD800  }
0x19: {  	_ =	swait.ge [sflag:s15], $0x5000  }
0x1a: {  	[sflag:s15] =	ssyncset.done $0x0  }
0x1b: {  	s16 =	sadd.s32 $0x1, s16;
	[sflag:s15] =	ssyncadd.s32 $0xFFFFB000  }
0x1c: {  	p0 =	sne.s32 s16, s7;
	_ =	swait.ge [sflag:s15], $0x2800  }
.Ltmp1:
0x1d: {  	[sflag:s15] =	ssyncset.done $0x0;
	(pc) =	sbr.rel @!p0 .LBB2_6-.Ltmp1, $4  }
0x1e: {  	[sflag:s15] =	ssyncadd.s32 $0xFFFFD800  }
0x1f: {  	_ =	swait.ge [sflag:s15], $0x5000  }
0x20: {  	[sflag:s15] =	ssyncset.done $0x0  }
0x21: {  	[sflag:s15] =	ssyncadd.s32 $0xFFFFB000  }
.LBB2_1:
0x22: {  	[tilespmem:s3], [sflag:$0x3] =	stream.linear.gather [hbm4b:s5+s3], $0x2710, $0x38;
	[tilespmem:$0x1B700] =	vst v63  }
0x23: {  	_ =	swait.ge [sflag:s10], $0x2710  }
0x24: {  	[sflag:s10] =	ssyncset.done $0x0  }
0x25: {  	s8 =	simm.s32 $0x2780;
	[sflag:s10] =	ssyncadd.s32 $0xFFFFD8F0  }
0x26: {  	[tilespmem:s8], [sflag:$0x3] =	stream.linear.gather [hbm4b:s6+s3], $0x2710, $0x38;
	[tilespmem:$0x1B700] =	vst v63  }
0x27: {  	_ =	swait.ge [sflag:s10], $0x2710  }
0x28: {  	[sflag:s10] =	ssyncset.done $0x0  }
0x29: {  	s22 =	simm.s32 $0x4F00;
	[sflag:s10] =	ssyncadd.s32 $0xFFFFD8F0  }
0x2a: {  	[tilespmem:s22], [sflag:$0x1] =	stream.indirect.gather [hbm4b:s2+s12], $0x80, s3, s12, $0xb8;
	[tilespmem:$0x1B700] =	vst v63  }
0x2b: {  	v3 =	vld [tilespmem:$0x2780];
	_ =	sdelay $0x4  }
0x2c: {  	v4 =	vshll.u32 v3, $0x1  }
0x2d: {  	v3 =	vand.u32 $0x7, v3;
	v4 =	vand.u32 $0xFFFFFFF0, v4  }
0x2e: {  	v3 =	vor.u32 v3, v4  }
0x2f: {  	v4 =	vperm.xlane v3, v0;
	_ =	sdelay $0x1  }
0x30: {  	v3 =	vperm.xlane v3, v2;
	v4 =	vadd.s32 v1, v4;
	_ =	sdelay $0x1  }
0x31: {  	v3 =	vadd.s32 v1, v3;
	_ =	sdelay $0x1  }
0x32: {  	s23 =	simm.s32 $0xC700  }
0x33: {  	[tilespmem:s23], [sflag:$0x1] =	stream.indirect_vreg.gather [hbm4b:s4+s3], $0x80, v4, vm0, $0xb8;
	[tilespmem:$0x1B700] =	vst v63  }
0x34: {  	s24 =	simm.s32 $0xCF00  }
0x35: {  	[tilespmem:s24], [sflag:$0x1] =	stream.indirect_vreg.gather [hbm4b:s4+s3], $0x80, v3, vm0, $0xb8;
	[tilespmem:$0x1B700] =	vst v63  }
0x36: {  	v3 =	vld [tilespmem:$0x2790];
	_ =	sdelay $0x4  }
0x37: {  	v55 =	vshll.u32 v3, $0x1  }
0x38: {  	v3 =	vand.u32 $0x7, v3;
	v4 =	vand.u32 $0xFFFFFFF0, v55  }
0x39: {  	v3 =	vor.u32 v3, v4  }
0x3a: {  	v4 =	vperm.xlane v3, v0;
	_ =	sdelay $0x1  }
0x3b: {  	v3 =	vperm.xlane v3, v2;
	v4 =	vadd.s32 v1, v4;
	_ =	sdelay $0x1  }
0x3c: {  	v3 =	vadd.s32 v1, v3;
	_ =	sdelay $0x1  }
0x3d: {  	s25 =	simm.s32 $0xD700  }
0x3e: {  	[tilespmem:s25], [sflag:$0x1] =	stream.indirect_vreg.gather [hbm4b:s4+s3], $0x80, v4, vm0, $0xb8;
	[tilespmem:$0x1B700] =	vst v63  }
0x3f: {  	s26 =	simm.s32 $0xDF00  }
0x40: {  	[tilespmem:s26], [sflag:$0x1] =	stream.indirect_vreg.gather [hbm4b:s4+s3], $0x80, v3, vm0, $0xb8;
	[tilespmem:$0x1B700] =	vst v63  }
0x41: {  	v3 =	vld [tilespmem:$0x27A0];
	_ =	sdelay $0x4  }
0x42: {  	v56 =	vshll.u32 v3, $0x1  }
0x43: {  	v3 =	vand.u32 $0x7, v3;
	v4 =	vand.u32 $0xFFFFFFF0, v56  }
0x44: {  	v3 =	vor.u32 v3, v4  }
0x45: {  	v4 =	vperm.xlane v3, v0;
	_ =	sdelay $0x1  }
0x46: {  	v3 =	vperm.xlane v3, v2;
	v4 =	vadd.s32 v1, v4;
	_ =	sdelay $0x1  }
0x47: {  	v3 =	vadd.s32 v1, v3;
	_ =	sdelay $0x1  }
0x48: {  	s9 =	simm.s32 $0xE700  }
0x49: {  	[tilespmem:s9], [sflag:$0x1] =	stream.indirect_vreg.gather [hbm4b:s4+s3], $0x80, v4, vm0, $0xb8;
	[tilespmem:$0x1B700] =	vst v63  }
0x4a: {  	s17 =	simm.s32 $0xEF00  }
0x4b: {  	[tilespmem:s17], [sflag:$0x1] =	stream.indirect_vreg.gather [hbm4b:s4+s3], $0x80, v3, vm0, $0xb8;
	[tilespmem:$0x1B700] =	vst v63  }
0x4c: {  	v3 =	vld [tilespmem:$0x27B0];
	_ =	sdelay $0x4  }
0x4d: {  	v57 =	vshll.u32 v3, $0x1  }
0x4e: {  	v3 =	vand.u32 $0x7, v3;
	v4 =	vand.u32 $0xFFFFFFF0, v57  }
0x4f: {  	v3 =	vor.u32 v3, v4  }
0x50: {  	v4 =	vperm.xlane v3, v0;
	_ =	sdelay $0x1  }
0x51: {  	v3 =	vperm.xlane v3, v2;
	v4 =	vadd.s32 v1, v4;
	_ =	sdelay $0x1  }
0x52: {  	v3 =	vadd.s32 v1, v3;
	_ =	sdelay $0x1  }
0x53: {  	s18 =	simm.s32 $0xF700  }
0x54: {  	[tilespmem:s18], [sflag:$0x1] =	stream.indirect_vreg.gather [hbm4b:s4+s3], $0x80, v4, vm0, $0xb8;
	[tilespmem:$0x1B700] =	vst v63  }
0x55: {  	s21 =	simm.s32 $0xFF00  }
0x56: {  	[tilespmem:s21], [sflag:$0x1] =	stream.indirect_vreg.gather [hbm4b:s4+s3], $0x80, v3, vm0, $0xb8;
	[tilespmem:$0x1B700] =	vst v63  }
0x57: {  	v3 =	vld [tilespmem:$0x27C0];
	_ =	sdelay $0x4  }
0x58: {  	v58 =	vshll.u32 v3, $0x1  }
0x59: {  	v3 =	vand.u32 $0x7, v3;
	v4 =	vand.u32 $0xFFFFFFF0, v58  }
0x5a: {  	v3 =	vor.u32 v3, v4  }
0x5b: {  	v4 =	vperm.xlane v3, v0;
	_ =	sdelay $0x1  }
0x5c: {  	v3 =	vperm.xlane v3, v2;
	v4 =	vadd.s32 v1, v4;
	_ =	sdelay $0x1  }
0x5d: {  	v3 =	vadd.s32 v1, v3;
	_ =	sdelay $0x1  }
0x5e: {  	s22 =	simm.s32 $0x10700  }
0x5f: {  	[tilespmem:s22], [sflag:$0x1] =	stream.indirect_vreg.gather [hbm4b:s4+s3], $0x80, v4, vm0, $0xb8;
	[tilespmem:$0x1B700] =	vst v63  }
0x60: {  	s23 =	simm.s32 $0x10F00  }
0x61: {  	[tilespmem:s23], [sflag:$0x1] =	stream.indirect_vreg.gather [hbm4b:s4+s3], $0x80, v3, vm0, $0xb8;
	[tilespmem:$0x1B700] =	vst v63  }
0x62: {  	s24 =	simm.s32 $0x7700  }
0x63: {  	[tilespmem:s24], [sflag:$0x1] =	stream.indirect.gather [hbm4b:s2+s12], $0x80, s12, s12, $0xb8;
	[tilespmem:$0x1B700] =	vst v63  }
0x64: {  	v3 =	vld [tilespmem:$0x27D0];
	_ =	sdelay $0x4  }
0x65: {  	v59 =	vshll.u32 v3, $0x1  }
0x66: {  	v3 =	vand.u32 $0x7, v3;
	v4 =	vand.u32 $0xFFFFFFF0, v59  }
0x67: {  	v3 =	vor.u32 v3, v4  }
0x68: {  	v4 =	vperm.xlane v3, v0;
	_ =	sdelay $0x1  }
0x69: {  	v3 =	vperm.xlane v3, v2;
	v4 =	vadd.s32 v1, v4;
	_ =	sdelay $0x1  }
0x6a: {  	v3 =	vadd.s32 v1, v3;
	_ =	sdelay $0x1  }
0x6b: {  	s25 =	simm.s32 $0x11700  }
0x6c: {  	[tilespmem:s25], [sflag:$0x1] =	stream.indirect_vreg.gather [hbm4b:s4+s3], $0x80, v4, vm0, $0xb8;
	[tilespmem:$0x1B700] =	vst v63  }
0x6d: {  	s26 =	simm.s32 $0x11F00  }
0x6e: {  	[tilespmem:s26], [sflag:$0x1] =	stream.indirect_vreg.gather [hbm4b:s4+s3], $0x80, v3, vm0, $0xb8;
	[tilespmem:$0x1B700] =	vst v63  }
0x6f: {  	v3 =	vld [tilespmem:$0x27E0];
	_ =	sdelay $0x4  }
0x70: {  	v60 =	vshll.u32 v3, $0x1  }
0x71: {  	v3 =	vand.u32 $0x7, v3;
	v4 =	vand.u32 $0xFFFFFFF0, v60  }
0x72: {  	v3 =	vor.u32 v3, v4  }
0x73: {  	v4 =	vperm.xlane v3, v0;
	_ =	sdelay $0x1  }
0x74: {  	v3 =	vperm.xlane v3, v2;
	v4 =	vadd.s32 v1, v4;
	_ =	sdelay $0x1  }
0x75: {  	v3 =	vadd.s32 v1, v3;
	_ =	sdelay $0x2  }
0x76: {  	[tilespmem:s28], [sflag:$0x1] =	stream.indirect_vreg.gather [hbm4b:s4+s3], $0x80, v4, vm0, $0xb8;
	[tilespmem:$0x1B700] =	vst v63  }
0x77: {  	_ = 	snop  }
0x78: {  	[tilespmem:s29], [sflag:$0x1] =	stream.indirect_vreg.gather [hbm4b:s4+s3], $0x80, v3, vm0, $0xb8;
	[tilespmem:$0x1B700] =	vst v63  }
0x79: {  	v3 =	vld [tilespmem:$0x27F0];
	_ =	sdelay $0x4  }
0x7a: {  	v61 =	vshll.u32 v3, $0x1  }
0x7b: {  	v3 =	vand.u32 $0x7, v3;
	v4 =	vand.u32 $0xFFFFFFF0, v61  }
0x7c: {  	v3 =	vor.u32 v3, v4  }
0x7d: {  	v4 =	vperm.xlane v3, v0;
	_ =	sdelay $0x1  }
0x7e: {  	v3 =	vperm.xlane v3, v2;
	v4 =	vadd.s32 v1, v4;
	_ =	sdelay $0x1  }
0x7f: {  	v3 =	vadd.s32 v1, v3;
	_ =	sdelay $0x2  }
0x80: {  	[tilespmem:s30], [sflag:$0x1] =	stream.indirect_vreg.gather [hbm4b:s4+s3], $0x80, v4, vm0, $0xb8;
	[tilespmem:$0x1B700] =	vst v63  }
0x81: {  	_ = 	snop  }
0x82: {  	[tilespmem:s31], [sflag:$0x1] =	stream.indirect_vreg.gather [hbm4b:s4+s3], $0x80, v3, vm0, $0xb8;
	[tilespmem:$0x1B700] =	vst v63  }
0x83: {  	v3 =	vld [tilespmem:$0x2800];
	_ =	sdelay $0x4  }
0x84: {  	v62 =	vshll.u32 v3, $0x1  }
0x85: {  	v3 =	vand.u32 $0x7, v3;
	v4 =	vand.u32 $0xFFFFFFF0, v62  }
0x86: {  	v3 =	vor.u32 v3, v4  }
0x87: {  	v4 =	vperm.xlane v3, v0;
	_ =	sdelay $0x1  }
0x88: {  	v3 =	vperm.xlane v3, v2;
	v4 =	vadd.s32 v1, v4;
	_ =	sdelay $0x1  }
0x89: {  	v3 =	vadd.s32 v1, v3;
	_ =	sdelay $0x2  }
0x8a: {  	[tilespmem:s1], [sflag:$0x1] =	stream.indirect_vreg.gather [hbm4b:s4+s3], $0x80, v4, vm0, $0xb8;
	[tilespmem:$0x1B700] =	vst v63  }
0x8b: {  	_ = 	snop  }
0x8c: {  	[tilespmem:s0], [sflag:$0x1] =	stream.indirect_vreg.gather [hbm4b:s4+s3], $0x80, v3, vm0, $0xb8;
	[tilespmem:$0x1B700] =	vst v63  }
0x8d: {  	v3 =	vld [tilespmem:$0x2810];
	_ =	sdelay $0x4  }
0x8e: {  	v63 =	vshll.u32 v3, $0x1  }
0x8f: {  	v3 =	vand.u32 $0x7, v3;
	v4 =	vand.u32 $0xFFFFFFF0, v63  }
0x90: {  	v3 =	vor.u32 v3, v4  }
0x91: {  	v4 =	vperm.xlane v3, v0;
	_ =	sdelay $0x1  }
0x92: {  	v3 =	vperm.xlane v3, v2;
	v4 =	vadd.s32 v1, v4;
	_ =	sdelay $0x1  }
0x93: {  	v3 =	vadd.s32 v1, v3  }
.Ltmp2:
0x94: {  	_ = 	snop;
	(pc) =	sbr.rel .LBB2_2-.Ltmp2, $4  }
0x95: {  	s8 =	smov.u32 s20;
	s9 =	smov.u32 s19  }
0x96: {  	[tilespmem:s11], [sflag:$0x1] =	stream.indirect_vreg.gather [hbm4b:s4+s3], $0x80, v4, vm0, $0xb8;
	[tilespmem:$0x1B700] =	vst v63  }
0x97: {  	s17 =	simm.s32 $0xA0;
	s18 =	simm.s32 $0x2860;
	s21 =	simm.s32 $0x2  }
0x98: {  	[tilespmem:s13], [sflag:$0x1] =	stream.indirect_vreg.gather [hbm4b:s4+s3], $0x80, v3, vm0, $0xb8;
	[tilespmem:$0x1B700] =	vst v63  }
.LBB2_4:
0x99: {  	s23 =	sadd.s32 $0xFFFFFEAA, s23  }
0x9a: {  	s23 =	sshrl.u32 s23, $0x9  }
0x9b: {  	s23 =	sand.u32 $0x7F, s23  }
0x9c: {  	s23 =	smul.u32 $0x3, s23  }
0x9d: {  	_ =	swait.ge [sflag:s14], $0x2800  }
0x9e: {  	[sflag:s14] =	ssyncset.done $0x0;
	s22 =	ssub.s32 s22, s23  }
0x9f: {  	[sflag:s14] =	ssyncadd.s32 $0xFFFFD800;
	s22 =	sand.u32 $0xFF, s22  }
0xa0: {  	_ =	swait.ge [sflag:s14], $0x5000;
	s26 =	smul.u32 $0xA000, s22  }
0xa1: {  	s21 =	sadd.s32 $0x1, s21;
	[sflag:s14] =	ssyncset.done $0x0;
	s22 =	smul.u32 $0x14000, s22  }
0xa2: {  	p0 =	sne.s32 s21, $0x7F;
	[sflag:s14] =	ssyncadd.s32 $0xFFFFB000;
	s23 =	sshrl.u32 s26, $0x2  }
.Ltmp3:
0xa3: {  	s22 =	sshrl.u32 s22, $0x2;
	s23 =	sadd.s32 $0x4F00, s23;
	(pc) =	sbr.rel @!p0 .LBB2_5-.Ltmp3, $4  }
0xa4: {  	[hbm4b:s9+s3] =	stream.linear.scatter [tilespmem:s23], [sflag:$0x2], $0x2800, $0x38;
	[tilespmem:$0x1B700] =	vst v63  }
0xa5: {  	s17 =	sadd.s32 $0x50, s17;
	s22 =	sadd.s32 $0xC700, s22  }
0xa6: {  	[hbm4b:s8+s3] =	stream.linear.scatter [tilespmem:s22], [sflag:$0x2], $0x5000, $0x38;
	[tilespmem:$0x1B700] =	vst v63  }
0xa7: {  	s18 =	sadd.s32 $0x50, s18;
	s9 =	sadd.s32 $0x500, s9;
	s8 =	sadd.s32 $0xA00, s8  }
.LBB2_2:
0xa8: {  	s22 =	sadd.s32 $0xFFFFFFFE, s21  }
0xa9: {  	p0 =	sgt.u32 s22, $0x7A  }
.Ltmp4:
0xaa: {  	_ = 	snop;
	(pc) =	sbr.rel @p0 .LBB2_4-.Ltmp4, $2  }
0xab: {  	_ =	sdelay $0x1  }
0xac: {  	s23 =	smul.u32 $0xAB, s21;
	_ =	sdelay $0x1  }
0xad: {  	s24 =	sshrl.u32 s23, $0x9  }
0xae: {  	s24 =	sand.u32 $0x7F, s24  }
0xaf: {  	p0 =	seq.s32 s21, $0x2;
	s24 =	smul.u32 $0x3, s24  }
0xb0: {  	s25 =	simm.s32 @!p0 $0x2  }
0xb1: {  	_ =	swait.ge @!p0 [sflag:s25], $0x2800;
	s24 =	ssub.s32 s21, s24  }
0xb2: {  	[sflag:s25] =	ssyncset.done @!p0 $0x0;
	s24 =	sand.u32 $0xFF, s24  }
0xb3: {  	[sflag:s25] =	ssyncadd.s32 @!p0 $0xFFFFD800;
	s26 =	smul.u32 $0xA000, s24  }
0xb4: {  	_ =	swait.ge @!p0 [sflag:s25], $0x5000  }
0xb5: {  	[sflag:s25] =	ssyncset.done @!p0 $0x0;
	s26 =	sshrl.u32 s26, $0x2  }
0xb6: {  	[sflag:s25] =	ssyncadd.s32 @!p0 $0xFFFFB000;
	s26 =	sadd.s32 $0x4F00, s26  }
0xb7: {  	[tilespmem:s26], [sflag:$0x1] =	stream.indirect.gather [hbm4b:s2+s12], $0x80, s17, s12, $0xb8;
	[tilespmem:$0x1B700] =	vst v63  }
0xb8: {  	v3 =	vld [tilespmem:s18+$0xFFFFFFC0];
	_ =	sdelay $0x4  }
0xb9: {  	v4 =	vshll.u32 v3, $0x1  }
0xba: {  	v3 =	vand.u32 $0x7, v3;
	v4 =	vand.u32 $0xFFFFFFF0, v4  }
0xbb: {  	v3 =	vor.u32 v3, v4  }
0xbc: {  	v4 =	vperm.xlane v3, v0;
	_ =	sdelay $0x1  }
0xbd: {  	v3 =	vperm.xlane v3, v2;
	v4 =	vadd.s32 v1, v4  }
0xbe: {  	s24 =	smul.u32 $0x14000, s24  }
0xbf: {  	v3 =	vadd.s32 v1, v3  }
0xc0: {  	s24 =	sshrl.u32 s24, $0x2  }
0xc1: {  	s26 =	sadd.s32 $0xC700, s24  }
0xc2: {  	[tilespmem:s26], [sflag:$0x1] =	stream.indirect_vreg.gather [hbm4b:s4+s3], $0x80, v4, vm0, $0xb8;
	[tilespmem:$0x1B700] =	vst v63  }
0xc3: {  	s26 =	sadd.s32 $0xCF00, s24  }
0xc4: {  	[tilespmem:s26], [sflag:$0x1] =	stream.indirect_vreg.gather [hbm4b:s4+s3], $0x80, v3, vm0, $0xb8;
	[tilespmem:$0x1B700] =	vst v63  }
0xc5: {  	v3 =	vld [tilespmem:s18+$0xFFFFFFD0];
	_ =	sdelay $0x4  }
0xc6: {  	v60 =	vshll.u32 v3, $0x1  }
0xc7: {  	v3 =	vand.u32 $0x7, v3;
	v4 =	vand.u32 $0xFFFFFFF0, v60  }
0xc8: {  	v3 =	vor.u32 v3, v4  }
0xc9: {  	v4 =	vperm.xlane v3, v0;
	_ =	sdelay $0x1  }
0xca: {  	v3 =	vperm.xlane v3, v2;
	v4 =	vadd.s32 v1, v4;
	_ =	sdelay $0x1  }
0xcb: {  	v3 =	vadd.s32 v1, v3;
	_ =	sdelay $0x1  }
0xcc: {  	s26 =	sadd.s32 $0xD700, s24  }
0xcd: {  	[tilespmem:s26], [sflag:$0x1] =	stream.indirect_vreg.gather [hbm4b:s4+s3], $0x80, v4, vm0, $0xb8;
	[tilespmem:$0x1B700] =	vst v63  }
0xce: {  	s26 =	sadd.s32 $0xDF00, s24  }
0xcf: {  	[tilespmem:s26], [sflag:$0x1] =	stream.indirect_vreg.gather [hbm4b:s4+s3], $0x80, v3, vm0, $0xb8;
	[tilespmem:$0x1B700] =	vst v63  }
0xd0: {  	v3 =	vld [tilespmem:s18+$0xFFFFFFE0];
	_ =	sdelay $0x4  }
0xd1: {  	v61 =	vshll.u32 v3, $0x1  }
0xd2: {  	v3 =	vand.u32 $0x7, v3;
	v4 =	vand.u32 $0xFFFFFFF0, v61  }
0xd3: {  	v3 =	vor.u32 v3, v4  }
0xd4: {  	v4 =	vperm.xlane v3, v0;
	_ =	sdelay $0x1  }
0xd5: {  	v3 =	vperm.xlane v3, v2;
	v4 =	vadd.s32 v1, v4;
	_ =	sdelay $0x1  }
0xd6: {  	v3 =	vadd.s32 v1, v3;
	_ =	sdelay $0x1  }
0xd7: {  	s26 =	sadd.s32 $0xE700, s24  }
0xd8: {  	[tilespmem:s26], [sflag:$0x1] =	stream.indirect_vreg.gather [hbm4b:s4+s3], $0x80, v4, vm0, $0xb8;
	[tilespmem:$0x1B700] =	vst v63  }
0xd9: {  	s26 =	sadd.s32 $0xEF00, s24  }
0xda: {  	[tilespmem:s26], [sflag:$0x1] =	stream.indirect_vreg.gather [hbm4b:s4+s3], $0x80, v3, vm0, $0xb8;
	[tilespmem:$0x1B700] =	vst v63  }
0xdb: {  	v3 =	vld [tilespmem:s18+$0xFFFFFFF0];
	_ =	sdelay $0x4  }
0xdc: {  	v62 =	vshll.u32 v3, $0x1  }
0xdd: {  	v3 =	vand.u32 $0x7, v3;
	v4 =	vand.u32 $0xFFFFFFF0, v62  }
0xde: {  	v3 =	vor.u32 v3, v4  }
0xdf: {  	v4 =	vperm.xlane v3, v0;
	_ =	sdelay $0x1  }
0xe0: {  	v3 =	vperm.xlane v3, v2;
	v4 =	vadd.s32 v1, v4;
	_ =	sdelay $0x1  }
0xe1: {  	v3 =	vadd.s32 v1, v3;
	_ =	sdelay $0x1  }
0xe2: {  	s26 =	sadd.s32 $0xF700, s24  }
0xe3: {  	[tilespmem:s26], [sflag:$0x1] =	stream.indirect_vreg.gather [hbm4b:s4+s3], $0x80, v4, vm0, $0xb8;
	[tilespmem:$0x1B700] =	vst v63  }
0xe4: {  	s26 =	sadd.s32 $0xFF00, s24  }
0xe5: {  	[tilespmem:s26], [sflag:$0x1] =	stream.indirect_vreg.gather [hbm4b:s4+s3], $0x80, v3, vm0, $0xb8;
	[tilespmem:$0x1B700] =	vst v63  }
0xe6: {  	v3 =	vld [tilespmem:s18+$0x0];
	_ =	sdelay $0x4  }
0xe7: {  	v63 =	vshll.u32 v3, $0x1  }
0xe8: {  	v3 =	vand.u32 $0x7, v3;
	v4 =	vand.u32 $0xFFFFFFF0, v63  }
0xe9: {  	v3 =	vor.u32 v3, v4  }
0xea: {  	v4 =	vperm.xlane v3, v0;
	_ =	sdelay $0x1  }
0xeb: {  	v3 =	vperm.xlane v3, v2;
	v4 =	vadd.s32 v1, v4;
	_ =	sdelay $0x1  }
0xec: {  	v3 =	vadd.s32 v1, v3  }
.Ltmp5:
0xed: {  	_ = 	snop;
	(pc) =	sbr.rel .LBB2_4-.Ltmp5, $4  }
0xee: {  	s26 =	sadd.s32 $0x10700, s24  }
0xef: {  	[tilespmem:s26], [sflag:$0x1] =	stream.indirect_vreg.gather [hbm4b:s4+s3], $0x80, v4, vm0, $0xb8;
	[tilespmem:$0x1B700] =	vst v63  }
0xf0: {  	s24 =	sadd.s32 $0x10F00, s24  }
0xf1: {  	[tilespmem:s24], [sflag:$0x1] =	stream.indirect_vreg.gather [hbm4b:s4+s3], $0x80, v3, vm0, $0xb8;
	[tilespmem:$0x1B700] =	vst v63  }
.LBB2_6:
0xf2: {  	_ =	sfence.sel $0x180000  }
0xf3: {  	[bflag:$0x0] =	sbarrier.arrive $0xFFFF  }
0xf4: {  	_ =	strace $0x90000047  }
0xf5: {  	s0 =	stileid.u32;
	[bflag:$0x2] =	sbarrier.arrive $0xFFFF  }
0xf6: {  	p0 =	sne.s32 s0, $0x0;
	s0 =	rddreg [dreg:$0x2]  }
0xf7: {  	s0 =	sadd.s32 @!p0 $0x100000, s0  }
0xf8: {  	[sflag:s0] =	ssyncadd.tile.s32 @!p0 $0x1;
	_ =	shalt  }
.Lfunc_end2:
_tile_overlayer_lowered:
.L_overlay_start_2:
0xf9: {  	(tag) =	ssettag $0x2  }
0xfa: {  	s0 =	rddreg [dreg:$0x0];
	s2 =	stileid.u32  }
0xfb: {  	s1 =	rddreg [dreg:$0x1];
	p0 =	sne.s32 s2, $0x0  }
0xfc: {  	s3 =	rddreg [dreg:$0x2];
	[bflag:$0x3] =	sbarrier.arrive $0xFFFF;
	s2 =	simm.s32 @!p0 $0x1C03  }
0xfd: {  	[timem:s3], [sflag:s2] =	dma.local @!p0 [hbm:s0], s1  }
0xfe: {  	s0 =	simm.s32 @!p0 $0x3  }
0xff: {  	_ =	swait.ge @!p0 [sflag:s0], s1  }
0x100: {  	s1 =	ssub.s32 @!p0 $0x0, s1;
	[sflag:s0] =	ssyncset.done @!p0 $0x0  }
0x101: {  	[sflag:s0] =	ssyncadd.s32 @!p0 s1  }
0x102: {  	[bflag:$0x3] =	sbarrier.arrive $0xFFFF  }
0x103: {  	_ =	shalt  }

</sc_bundles>
